<compile_context>
chip_gen: v7x
topology: tpu7x:2x2x1
jax: 0.10.2.dev20260603
libtpu: 0.0.44.dev20260713+nightly
codegen_flags: <defaults>
</compile_context>

<pallas_src>
import functools

import jax
import jax.numpy as jnp
from jax import lax
from jax.experimental import pallas as pl
from jax.experimental.pallas import tpu as pltpu
from jax.experimental.pallas import tpu_sc as plsc

BATCH = 16384
EMBED_DIM = 32
HIDDEN_DIM = 64
FEAT_PAD = 8
SUPER = 128
PACK = 8
GROUPS = 4

CHUNK = 4096
S_U = 126976
S_I = 16384
STEPS_U = S_U // CHUNK
STEPS_I = S_I // CHUNK
ROWS_OUT = S_U + S_I

_NC = 2
_NS = 16
_NW = _NC * _NS
_IDX_N = 2 * BATCH
_B_PER_W = _IDX_N // _NW


def _pack_bf16_pair(ta, tb):
    ua = lax.bitcast_convert_type(ta, jnp.uint32)
    ub = lax.bitcast_convert_type(tb, jnp.uint32)
    ra = (ua + jnp.uint32(0x8000)) >> 16
    rb = (ub + jnp.uint32(0x8000)) & jnp.uint32(0xFFFF0000)
    return lax.bitcast_convert_type(rb | ra, jnp.int32)


def _relayout_body(*refs):
    u_slabs, i_slabs, out_ref = refs[:PACK], refs[PACK:2 * PACK], refs[-1]
    k = pl.program_id(0)

    def emit(slabs):
        a = jnp.concatenate([slabs[g][...] for g in (0, 2, 4, 6)], axis=0)
        b = jnp.concatenate([slabs[g][...] for g in (1, 3, 5, 7)], axis=0)
        out_ref[...] = jnp.transpose(_pack_bf16_pair(a, b))

    @pl.when(k < STEPS_U)
    def _():
        emit(u_slabs)

    @pl.when(k >= STEPS_U)
    def _():
        emit(i_slabs)


def _relayout(tt_u, tt_i):
    last_u = (tt_u.shape[1] + CHUNK - 1) // CHUNK - 1
    last_i = (tt_i.shape[1] + CHUNK - 1) // CHUNK - 1

    def u_spec(a):
        return pl.BlockSpec(
            (EMBED_DIM, CHUNK),
            lambda k, a=a: (0, jnp.minimum(
                a * STEPS_U + jnp.minimum(k, STEPS_U - 1), last_u)))

    def i_spec(a):
        return pl.BlockSpec(
            (EMBED_DIM, CHUNK),
            lambda k, a=a: (0, jnp.minimum(
                a * STEPS_I + jnp.clip(k - STEPS_U, 0, STEPS_I - 1), last_i)))

    return pl.pallas_call(
        _relayout_body,
        grid=(STEPS_U + STEPS_I,),
        in_specs=[u_spec(a) for a in range(PACK)]
        + [i_spec(a) for a in range(PACK)],
        out_specs=pl.BlockSpec((CHUNK, SUPER), lambda k: (k, 0)),
        out_shape=jax.ShapeDtypeStruct((ROWS_OUT, SUPER), jnp.int32),
    )(*([tt_u] * PACK + [tt_i] * PACK))


def _sc_gather(table_sr, idx):
    mesh = plsc.VectorSubcoreMesh(core_axis_name="c", subcore_axis_name="s")
    half = BATCH // _NW

    @functools.partial(
        pl.kernel,
        mesh=mesh,
        compiler_params=pltpu.CompilerParams(use_tc_tiling_on_sc=True),
        out_type=jax.ShapeDtypeStruct((BATCH, SUPER), jnp.int32),
        scratch_types=[
            pltpu.VMEM((half,), jnp.int32),
            pltpu.VMEM((half, SUPER), jnp.int32),
            pltpu.SemaphoreType.DMA,
        ],
    )
    def gather_kernel(tab_hbm, idx_hbm, out_hbm, idx_v, rows_v, sem):
        wid = lax.axis_index("s") * _NC + lax.axis_index("c")
        base = wid * half
        pltpu.sync_copy(idx_hbm.at[pl.ds(base, half)], idx_v)
        pltpu.async_copy(tab_hbm.at[idx_v], rows_v, sem).wait()
        pltpu.sync_copy(rows_v, out_hbm.at[pl.ds(base, half)])

    return gather_kernel(table_sr, idx)


def _mlp_body(gu_ref, gi_ref, f_ref, su_ref, si_ref, w1u_ref, w1i_ref,
              w1f_ref, b1_ref, w2_ref, b2_ref, out_ref):
    blk = gu_ref.shape[0]
    group = lax.broadcasted_iota(jnp.int32, (blk, SUPER), 1) // EMBED_DIM

    def unpack(g_ref, sel_ref):
        g = g_ref[...]
        sel = sel_ref[...]
        grp = sel >> 1
        half = sel & 1
        bits = jnp.where(half == 0, g << 16, g & jnp.int32(-65536))
        f = lax.bitcast_convert_type(bits, jnp.float32)
        return jnp.where(group == grp, f, 0.0).astype(jnp.bfloat16)

    u = unpack(gu_ref, su_ref)
    it = unpack(gi_ref, si_ref)
    h = (
        jnp.dot(u, w1u_ref[...], preferred_element_type=jnp.float32)
        + jnp.dot(it, w1i_ref[...], preferred_element_type=jnp.float32)
        + jnp.dot(f_ref[...], w1f_ref[...], preferred_element_type=jnp.float32)
        + b1_ref[...]
    )
    h = jnp.maximum(h, 0.0)
    out_ref[...] = jnp.sum(h * w2_ref[...], axis=1, keepdims=True) + b2_ref[...]


def _tc_mlp(gu, gi, features_p, sel_u, sel_i, w1u4, w1i4, w1f, b1, w2r, b2):
    block = 2048
    grid = (BATCH // block,)
    const = lambda i: (0, 0)
    row = lambda i: (i, 0)
    return pl.pallas_call(
        _mlp_body,
        grid=grid,
        in_specs=[
            pl.BlockSpec((block, SUPER), row),
            pl.BlockSpec((block, SUPER), row),
            pl.BlockSpec((block, FEAT_PAD), row),
            pl.BlockSpec((block, 1), row),
            pl.BlockSpec((block, 1), row),
            pl.BlockSpec((SUPER, HIDDEN_DIM), const),
            pl.BlockSpec((SUPER, HIDDEN_DIM), const),
            pl.BlockSpec((FEAT_PAD, HIDDEN_DIM), const),
            pl.BlockSpec((1, HIDDEN_DIM), const),
            pl.BlockSpec((1, HIDDEN_DIM), const),
            pl.BlockSpec((1, 1), const),
        ],
        out_specs=pl.BlockSpec((block, 1), row),
        out_shape=jax.ShapeDtypeStruct((BATCH, 1), jnp.float32),
    )(gu, gi, features_p, sel_u, sel_i, w1u4, w1i4, w1f, b1, w2r, b2)


def kernel(user, item, features, user_table, item_table, W1, b1, W2, b2):
    user = user.astype(jnp.int32)
    item = item.astype(jnp.int32)

    table_sr = _relayout(user_table.T, item_table.T)
    gu = _sc_gather(table_sr, user % S_U)
    gi = _sc_gather(table_sr, S_U + item % S_I)

    sel_u = (user // S_U).reshape(BATCH, 1)
    sel_i = (item // S_I).reshape(BATCH, 1)
    features_p = jnp.pad(features, ((0, 0), (0, FEAT_PAD - features.shape[1])))
    w1u = W1[:EMBED_DIM].astype(jnp.bfloat16)
    w1i = W1[EMBED_DIM:2 * EMBED_DIM].astype(jnp.bfloat16)
    w1u4 = jnp.concatenate([w1u] * GROUPS, axis=0)
    w1i4 = jnp.concatenate([w1i] * GROUPS, axis=0)
    w1f = jnp.pad(W1[2 * EMBED_DIM:], ((0, FEAT_PAD - 3), (0, 0)))
    b1r = b1.reshape(1, HIDDEN_DIM)
    w2r = W2.reshape(1, HIDDEN_DIM)
    b2r = b2.reshape(1, 1)

    out = _tc_mlp(gu, gi, features_p, sel_u, sel_i, w1u4, w1i4, w1f,
                  b1r, w2r, b2r)
    return out.reshape(BATCH)

# --- scband reference (transcript-rebuilt; emitter-appended) ---
"""Pipeline reference for scband-product-ranking-model-65257733095780 (READ-ONLY COPY).

The authoritative reference and input builder live on the scoring server;
editing this copy changes nothing except your own understanding.
"""

import jax, jax.numpy as jnp
import numpy as np

NUM_USERS = 1000000
NUM_ITEMS = 100000
EMBED_DIM = 32
HIDDEN_DIM = 64
BATCH = 16384


def setup_inputs(seed: int = 0) -> dict:
    key = jax.random.key(seed)
    k_user, k_item, k_feat, k_ut, k_it, k_w1, k_b1, k_w2, k_b2 = jax.random.split(key, 9)
    user = jax.random.randint(k_user, (BATCH,), 0, NUM_USERS, dtype=jnp.int64 if jax.config.jax_enable_x64 else jnp.int32)
    item = jax.random.randint(k_item, (BATCH,), 0, NUM_ITEMS, dtype=jnp.int64 if jax.config.jax_enable_x64 else jnp.int32)
    features = jax.random.normal(k_feat, (BATCH, 3), dtype=jnp.float32)
    user_table = jax.random.normal(k_ut, (NUM_USERS, EMBED_DIM), dtype=jnp.float32) * 0.05
    item_table = jax.random.normal(k_it, (NUM_ITEMS, EMBED_DIM), dtype=jnp.float32) * 0.05
    in_dim = EMBED_DIM * 2 + 3
    W1 = jax.random.normal(k_w1, (in_dim, HIDDEN_DIM), dtype=jnp.float32) * (1.0 / np.sqrt(in_dim))
    b1 = jax.random.normal(k_b1, (HIDDEN_DIM,), dtype=jnp.float32) * 0.01
    W2 = jax.random.normal(k_w2, (HIDDEN_DIM, 1), dtype=jnp.float32) * (1.0 / np.sqrt(HIDDEN_DIM))
    b2 = jax.random.normal(k_b2, (1,), dtype=jnp.float32) * 0.01
    return {"user": user, "item": item, "features": features,
            "user_table": user_table, "item_table": item_table,
            "W1": W1, "b1": b1, "W2": W2, "b2": b2}


def reference(user, item, features, user_table, item_table, W1, b1, W2, b2):
    user_emb = jnp.take(user_table, user, axis=0)
    item_emb = jnp.take(item_table, item, axis=0)
    x = jnp.concatenate([user_emb, item_emb, features], axis=1)
    h = jax.nn.relu(x @ W1 + b1)
    out = h @ W2 + b2
    return out.squeeze(1)

if __name__ == "__main__":
    import jax
    _d = setup_inputs()
    print(jax.jit(kernel)(*tuple(_d.values())))

</pallas_src>

<mosaic_0001>
#map = affine_map<(d0, d1) -> (0, 0)>
#map1 = affine_map<(d0, d1) -> (0)>
module attributes {stable_mosaic.version = 14 : i64} {
  func.func @gather_kernel(%arg0: i32, %arg1: i32, %arg2: memref<143360x128xi32, #tpu.memory_space<hbm>>, %arg3: memref<16384xi32, #tpu.memory_space<hbm>>, %arg4: memref<16384x128xi32, #tpu.memory_space<hbm>>, %arg5: memref<512xi32, #tpu.memory_space<vmem>>, %arg6: memref<512x128xi32, #tpu.memory_space<vmem>>, %arg7: memref<!tpu.dma_semaphore, #tpu.memory_space<semaphore_mem>>) attributes {dimension_semantics = [#tpu.dimension_semantics<core_parallel>, #tpu.dimension_semantics<subcore_parallel>], iteration_bounds = array<i64: 2, 16>, scalar_prefetch = 0 : i64, scratch_operands = 3 : i64, tpu.core_type = #tpu.core_type<sc_vector_subcore>, window_params = [{transform_indices = #map}, {transform_indices = #map1}, {transform_indices = #map}]} {
    %mul3A = arith.constant 2 : i32
    %mul3A_0 = arith.muli %arg1, %mul3A : i32
    %add3A = arith.addi %mul3A_0, %arg0 : i32
    %mul3A_1 = arith.constant 512 : i32
    %mul3A_2 = arith.muli %add3A, %mul3A_1 : i32
    "tpu.region"() ({
      %run_scoped3A = tpu.sem_alloc : memref<!tpu.dma_semaphore, #tpu.memory_space<semaphore_mem>>
      %dma_start3A_7 = tpu.memref_slice %arg3[%mul3A_2] : memref<16384xi32, #tpu.memory_space<hbm>> -> memref<512xi32, #tpu.memory_space<hbm>>
      %dma_start3A_8 = tpu.memref_slice %arg3[%mul3A_2] : memref<16384xi32, #tpu.memory_space<hbm>> -> memref<512xi32, #tpu.memory_space<hbm>>
      tpu.enqueue_dma source(%dma_start3A_8 : memref<512xi32, #tpu.memory_space<hbm>>) target(%arg5 : memref<512xi32, #tpu.memory_space<vmem>>) target_semaphore(%run_scoped3A : memref<!tpu.dma_semaphore, #tpu.memory_space<semaphore_mem>>)
      %dma_wait3A_9 = tpu.memref_slice %arg3[%mul3A_2] : memref<16384xi32, #tpu.memory_space<hbm>> -> memref<512xi32, #tpu.memory_space<hbm>>
      %dma_wait3A_10 = tpu.memref_slice %arg3[%mul3A_2] : memref<16384xi32, #tpu.memory_space<hbm>> -> memref<512xi32, #tpu.memory_space<hbm>>
      tpu.wait_dma2 semaphore(%run_scoped3A : memref<!tpu.dma_semaphore, #tpu.memory_space<semaphore_mem>>) src(%dma_wait3A_10 : memref<512xi32, #tpu.memory_space<hbm>>) dst(%arg5 : memref<512xi32, #tpu.memory_space<vmem>>)
      tpu.yield
    }) : () -> ()
    %dma_start3A = arith.constant 0 : i32
    %dma_start3A_3 = arith.constant 0 : i32
    %dma_start3A_4 = tpu.memref_slice %arg2[%dma_start3A, %dma_start3A_3] : memref<143360x128xi32, #tpu.memory_space<hbm>> -> memref<143360x128xi32, #tpu.memory_space<hbm>>
    tpu.enqueue_indirect_dma source(%dma_start3A_4 : memref<143360x128xi32, #tpu.memory_space<hbm>>) target(%arg6 : memref<512x128xi32, #tpu.memory_space<vmem>>) offsets(%arg5 : memref<512xi32, #tpu.memory_space<vmem>>) semaphore(%arg7 : memref<!tpu.dma_semaphore, #tpu.memory_space<semaphore_mem>>)
    %dma_wait3A = arith.constant 0 : i32
    %dma_wait3A_5 = arith.constant 0 : i32
    %dma_wait3A_6 = tpu.memref_slice %arg2[%dma_wait3A, %dma_wait3A_5] : memref<143360x128xi32, #tpu.memory_space<hbm>> -> memref<143360x128xi32, #tpu.memory_space<hbm>>
    tpu.wait_indirect_dma semaphore(%arg7 : memref<!tpu.dma_semaphore, #tpu.memory_space<semaphore_mem>>) src(%dma_wait3A_6 : memref<143360x128xi32, #tpu.memory_space<hbm>>) dst(%arg6 : memref<512x128xi32, #tpu.memory_space<vmem>>)
    "tpu.region"() ({
      %run_scoped3A = tpu.sem_alloc : memref<!tpu.dma_semaphore, #tpu.memory_space<semaphore_mem>>
      %dma_start3A_7 = arith.constant 0 : i32
      %dma_start3A_8 = tpu.memref_slice %arg4[%mul3A_2, %dma_start3A_7] : memref<16384x128xi32, #tpu.memory_space<hbm>> -> memref<512x128xi32, #tpu.memory_space<hbm>>
      %dma_start3A_9 = arith.constant 0 : i32
      %dma_start3A_10 = tpu.memref_slice %arg4[%mul3A_2, %dma_start3A_9] : memref<16384x128xi32, #tpu.memory_space<hbm>> -> memref<512x128xi32, #tpu.memory_space<hbm>>
      tpu.enqueue_dma source(%arg6 : memref<512x128xi32, #tpu.memory_space<vmem>>) target(%dma_start3A_10 : memref<512x128xi32, #tpu.memory_space<hbm>>) target_semaphore(%run_scoped3A : memref<!tpu.dma_semaphore, #tpu.memory_space<semaphore_mem>>)
      %dma_wait3A_11 = arith.constant 0 : i32
      %dma_wait3A_12 = tpu.memref_slice %arg4[%mul3A_2, %dma_wait3A_11] : memref<16384x128xi32, #tpu.memory_space<hbm>> -> memref<512x128xi32, #tpu.memory_space<hbm>>
      %dma_wait3A_13 = arith.constant 0 : i32
      %dma_wait3A_14 = tpu.memref_slice %arg4[%mul3A_2, %dma_wait3A_13] : memref<16384x128xi32, #tpu.memory_space<hbm>> -> memref<512x128xi32, #tpu.memory_space<hbm>>
      tpu.wait_dma2 semaphore(%run_scoped3A : memref<!tpu.dma_semaphore, #tpu.memory_space<semaphore_mem>>) src(%arg6 : memref<512x128xi32, #tpu.memory_space<vmem>>) dst(%dma_wait3A_14 : memref<512x128xi32, #tpu.memory_space<hbm>>)
      tpu.yield
    }) : () -> ()
    return
  }
}

#map = affine_map<(d0, d1) -> (0, 0)>
#map1 = affine_map<(d0, d1) -> (0)>
module attributes {stable_mosaic.version = 14 : i64} {
  func.func @gather_kernel(%arg0: i32, %arg1: i32, %arg2: memref<143360x128xi32, #tpu.memory_space<hbm>>, %arg3: memref<16384xi32, #tpu.memory_space<hbm>>, %arg4: memref<16384x128xi32, #tpu.memory_space<hbm>>, %arg5: memref<512xi32, #tpu.memory_space<vmem>>, %arg6: memref<512x128xi32, #tpu.memory_space<vmem>>, %arg7: memref<!tpu.dma_semaphore, #tpu.memory_space<semaphore_mem>>) attributes {dimension_semantics = [#tpu.dimension_semantics<core_parallel>, #tpu.dimension_semantics<subcore_parallel>], iteration_bounds = array<i64: 2, 16>, scalar_prefetch = 0 : i64, scratch_operands = 3 : i64, tpu.core_type = #tpu.core_type<sc_vector_subcore>, window_params = [{transform_indices = #map}, {transform_indices = #map1}, {transform_indices = #map}]} {
    %mul3A = arith.constant 2 : i32
    %mul3A_0 = arith.muli %arg1, %mul3A : i32
    %add3A = arith.addi %mul3A_0, %arg0 : i32
    %mul3A_1 = arith.constant 512 : i32
    %mul3A_2 = arith.muli %add3A, %mul3A_1 : i32
    "tpu.region"() ({
      %run_scoped3A = tpu.sem_alloc : memref<!tpu.dma_semaphore, #tpu.memory_space<semaphore_mem>>
      %dma_start3A_7 = tpu.memref_slice %arg3[%mul3A_2] : memref<16384xi32, #tpu.memory_space<hbm>> -> memref<512xi32, #tpu.memory_space<hbm>>
      %dma_start3A_8 = tpu.memref_slice %arg3[%mul3A_2] : memref<16384xi32, #tpu.memory_space<hbm>> -> memref<512xi32, #tpu.memory_space<hbm>>
      tpu.enqueue_dma source(%dma_start3A_8 : memref<512xi32, #tpu.memory_space<hbm>>) target(%arg5 : memref<512xi32, #tpu.memory_space<vmem>>) target_semaphore(%run_scoped3A : memref<!tpu.dma_semaphore, #tpu.memory_space<semaphore_mem>>)
      %dma_wait3A_9 = tpu.memref_slice %arg3[%mul3A_2] : memref<16384xi32, #tpu.memory_space<hbm>> -> memref<512xi32, #tpu.memory_space<hbm>>
      %dma_wait3A_10 = tpu.memref_slice %arg3[%mul3A_2] : memref<16384xi32, #tpu.memory_space<hbm>> -> memref<512xi32, #tpu.memory_space<hbm>>
      tpu.wait_dma2 semaphore(%run_scoped3A : memref<!tpu.dma_semaphore, #tpu.memory_space<semaphore_mem>>) src(%dma_wait3A_10 : memref<512xi32, #tpu.memory_space<hbm>>) dst(%arg5 : memref<512xi32, #tpu.memory_space<vmem>>)
      tpu.yield
    }) : () -> ()
    %dma_start3A = arith.constant 0 : i32
    %dma_start3A_3 = arith.constant 0 : i32
    %dma_start3A_4 = tpu.memref_slice %arg2[%dma_start3A, %dma_start3A_3] : memref<143360x128xi32, #tpu.memory_space<hbm>> -> memref<143360x128xi32, #tpu.memory_space<hbm>>
    tpu.enqueue_indirect_dma source(%dma_start3A_4 : memref<143360x128xi32, #tpu.memory_space<hbm>>) target(%arg6 : memref<512x128xi32, #tpu.memory_space<vmem>>) offsets(%arg5 : memref<512xi32, #tpu.memory_space<vmem>>) semaphore(%arg7 : memref<!tpu.dma_semaphore, #tpu.memory_space<semaphore_mem>>)
    %dma_wait3A = arith.constant 0 : i32
    %dma_wait3A_5 = arith.constant 0 : i32
    %dma_wait3A_6 = tpu.memref_slice %arg2[%dma_wait3A, %dma_wait3A_5] : memref<143360x128xi32, #tpu.memory_space<hbm>> -> memref<143360x128xi32, #tpu.memory_space<hbm>>
    tpu.wait_indirect_dma semaphore(%arg7 : memref<!tpu.dma_semaphore, #tpu.memory_space<semaphore_mem>>) src(%dma_wait3A_6 : memref<143360x128xi32, #tpu.memory_space<hbm>>) dst(%arg6 : memref<512x128xi32, #tpu.memory_space<vmem>>)
    "tpu.region"() ({
      %run_scoped3A = tpu.sem_alloc : memref<!tpu.dma_semaphore, #tpu.memory_space<semaphore_mem>>
      %dma_start3A_7 = arith.constant 0 : i32
      %dma_start3A_8 = tpu.memref_slice %arg4[%mul3A_2, %dma_start3A_7] : memref<16384x128xi32, #tpu.memory_space<hbm>> -> memref<512x128xi32, #tpu.memory_space<hbm>>
      %dma_start3A_9 = arith.constant 0 : i32
      %dma_start3A_10 = tpu.memref_slice %arg4[%mul3A_2, %dma_start3A_9] : memref<16384x128xi32, #tpu.memory_space<hbm>> -> memref<512x128xi32, #tpu.memory_space<hbm>>
      tpu.enqueue_dma source(%arg6 : memref<512x128xi32, #tpu.memory_space<vmem>>) target(%dma_start3A_10 : memref<512x128xi32, #tpu.memory_space<hbm>>) target_semaphore(%run_scoped3A : memref<!tpu.dma_semaphore, #tpu.memory_space<semaphore_mem>>)
      %dma_wait3A_11 = arith.constant 0 : i32
      %dma_wait3A_12 = tpu.memref_slice %arg4[%mul3A_2, %dma_wait3A_11] : memref<16384x128xi32, #tpu.memory_space<hbm>> -> memref<512x128xi32, #tpu.memory_space<hbm>>
      %dma_wait3A_13 = arith.constant 0 : i32
      %dma_wait3A_14 = tpu.memref_slice %arg4[%mul3A_2, %dma_wait3A_13] : memref<16384x128xi32, #tpu.memory_space<hbm>> -> memref<512x128xi32, #tpu.memory_space<hbm>>
      tpu.wait_dma2 semaphore(%run_scoped3A : memref<!tpu.dma_semaphore, #tpu.memory_space<semaphore_mem>>) src(%arg6 : memref<512x128xi32, #tpu.memory_space<vmem>>) dst(%dma_wait3A_14 : memref<512x128xi32, #tpu.memory_space<hbm>>)
      tpu.yield
    }) : () -> ()
    return
  }
}

module attributes {stable_mosaic.version = 14 : i64} {
  func.func @_relayout_body(%arg0: i32, %arg1: memref<32x4096xf32, #tpu.memory_space<vmem>>, %arg2: memref<32x4096xf32, #tpu.memory_space<vmem>>, %arg3: memref<32x4096xf32, #tpu.memory_space<vmem>>, %arg4: memref<32x4096xf32, #tpu.memory_space<vmem>>, %arg5: memref<32x4096xf32, #tpu.memory_space<vmem>>, %arg6: memref<32x4096xf32, #tpu.memory_space<vmem>>, %arg7: memref<32x4096xf32, #tpu.memory_space<vmem>>, %arg8: memref<32x4096xf32, #tpu.memory_space<vmem>>, %arg9: memref<32x4096xf32, #tpu.memory_space<vmem>>, %arg10: memref<32x4096xf32, #tpu.memory_space<vmem>>, %arg11: memref<32x4096xf32, #tpu.memory_space<vmem>>, %arg12: memref<32x4096xf32, #tpu.memory_space<vmem>>, %arg13: memref<32x4096xf32, #tpu.memory_space<vmem>>, %arg14: memref<32x4096xf32, #tpu.memory_space<vmem>>, %arg15: memref<32x4096xf32, #tpu.memory_space<vmem>>, %arg16: memref<32x4096xf32, #tpu.memory_space<vmem>>, %arg17: memref<4096x128xi32, #tpu.memory_space<vmem>>) attributes {dimension_semantics = [#tpu.dimension_semantics<arbitrary>], iteration_bounds = array<i64: 35>, scalar_prefetch = 0 : i64, scratch_operands = 0 : i64, tpu.core_type = #tpu.core_type<tc>, window_params = [{transform_indices = @transform_0, window_bounds = array<i64: 32, 4096>}, {transform_indices = @transform_1, window_bounds = array<i64: 32, 4096>}, {transform_indices = @transform_2, window_bounds = array<i64: 32, 4096>}, {transform_indices = @transform_3, window_bounds = array<i64: 32, 4096>}, {transform_indices = @transform_4, window_bounds = array<i64: 32, 4096>}, {transform_indices = @transform_5, window_bounds = array<i64: 32, 4096>}, {transform_indices = @transform_6, window_bounds = array<i64: 32, 4096>}, {transform_indices = @transform_7, window_bounds = array<i64: 32, 4096>}, {transform_indices = @transform_8, window_bounds = array<i64: 32, 4096>}, {transform_indices = @transform_9, window_bounds = array<i64: 32, 4096>}, {transform_indices = @transform_10, window_bounds = array<i64: 32, 4096>}, {transform_indices = @transform_11, window_bounds = array<i64: 32, 4096>}, {transform_indices = @transform_12, window_bounds = array<i64: 32, 4096>}, {transform_indices = @transform_13, window_bounds = array<i64: 32, 4096>}, {transform_indices = @transform_14, window_bounds = array<i64: 32, 4096>}, {transform_indices = @transform_15, window_bounds = array<i64: 32, 4096>}, {transform_indices = @transform_16, window_bounds = array<i64: 4096, 128>}]} {
    %lt3A = arith.constant 31 : i32
    %lt3A_0 = arith.cmpi slt, %arg0, %lt3A : i32
    %convert_element_type3A = arith.extui %lt3A_0 : i1 to i32
    %cond3A = arith.constant 0 : i32
    %cond3A_1 = arith.cmpi ne, %convert_element_type3A, %cond3A : i32
    scf.if %cond3A_1 {
      %get3A = arith.constant 0 : index
      %get3A_6 = arith.constant 0 : index
      %get3A_7 = vector.load %arg1[%get3A, %get3A_6] : memref<32x4096xf32, #tpu.memory_space<vmem>>, vector<32x4096xf32>
      %get3A_8 = arith.constant 0 : index
      %get3A_9 = arith.constant 0 : index
      %get3A_10 = vector.load %arg3[%get3A_8, %get3A_9] : memref<32x4096xf32, #tpu.memory_space<vmem>>, vector<32x4096xf32>
      %get3A_11 = arith.constant 0 : index
      %get3A_12 = arith.constant 0 : index
      %get3A_13 = vector.load %arg5[%get3A_11, %get3A_12] : memref<32x4096xf32, #tpu.memory_space<vmem>>, vector<32x4096xf32>
      %get3A_14 = arith.constant 0 : index
      %get3A_15 = arith.constant 0 : index
      %get3A_16 = vector.load %arg7[%get3A_14, %get3A_15] : memref<32x4096xf32, #tpu.memory_space<vmem>>, vector<32x4096xf32>
      %concatenate3A = tpu.concatenate %get3A_7, %get3A_10, %get3A_13, %get3A_16 in 0 : vector<32x4096xf32>, vector<32x4096xf32>, vector<32x4096xf32>, vector<32x4096xf32> -> vector<128x4096xf32>
      %get3A_17 = arith.constant 0 : index
      %get3A_18 = arith.constant 0 : index
      %get3A_19 = vector.load %arg2[%get3A_17, %get3A_18] : memref<32x4096xf32, #tpu.memory_space<vmem>>, vector<32x4096xf32>
      %get3A_20 = arith.constant 0 : index
      %get3A_21 = arith.constant 0 : index
      %get3A_22 = vector.load %arg4[%get3A_20, %get3A_21] : memref<32x4096xf32, #tpu.memory_space<vmem>>, vector<32x4096xf32>
      %get3A_23 = arith.constant 0 : index
      %get3A_24 = arith.constant 0 : index
      %get3A_25 = vector.load %arg6[%get3A_23, %get3A_24] : memref<32x4096xf32, #tpu.memory_space<vmem>>, vector<32x4096xf32>
      %get3A_26 = arith.constant 0 : index
      %get3A_27 = arith.constant 0 : index
      %get3A_28 = vector.load %arg8[%get3A_26, %get3A_27] : memref<32x4096xf32, #tpu.memory_space<vmem>>, vector<32x4096xf32>
      %concatenate3A_29 = tpu.concatenate %get3A_19, %get3A_22, %get3A_25, %get3A_28 in 0 : vector<32x4096xf32>, vector<32x4096xf32>, vector<32x4096xf32>, vector<32x4096xf32> -> vector<128x4096xf32>
      %bitcast_convert_type3A = tpu.bitcast %concatenate3A : vector<128x4096xf32> -> vector<128x4096xi32>
      %bitcast_convert_type3A_30 = tpu.bitcast %concatenate3A_29 : vector<128x4096xf32> -> vector<128x4096xi32>
      %add3A = arith.constant 32768 : i32
      %add3A_31 = vector.broadcast %add3A : i32 to vector<128x4096xi32>
      %add3A_32 = arith.addi %bitcast_convert_type3A, %add3A_31 : vector<128x4096xi32>
      %shift_right_logical3A = arith.constant 16 : i32
      %shift_right_logical3A_33 = vector.broadcast %shift_right_logical3A : i32 to vector<128x4096xi32>
      %shift_right_logical3A_34 = arith.shrui %add3A_32, %shift_right_logical3A_33 : vector<128x4096xi32>
      %add3A_35 = arith.constant 32768 : i32
      %add3A_36 = vector.broadcast %add3A_35 : i32 to vector<128x4096xi32>
      %add3A_37 = arith.addi %bitcast_convert_type3A_30, %add3A_36 : vector<128x4096xi32>
      %and3A = arith.constant -65536 : i32
      %and3A_38 = vector.broadcast %and3A : i32 to vector<128x4096xi32>
      %and3A_39 = arith.andi %add3A_37, %and3A_38 : vector<128x4096xi32>
      %or3A = arith.ori %and3A_39, %shift_right_logical3A_34 : vector<128x4096xi32>
      %bitcast_convert_type3A_40 = tpu.bitcast %or3A : vector<128x4096xi32> -> vector<128x4096xi32>
      %transpose3A = tpu.transpose %bitcast_convert_type3A_40, [1, 0] : vector<128x4096xi32> -> vector<4096x128xi32>
      %swap3A = arith.constant 0 : index
      %swap3A_41 = arith.constant 0 : index
      %swap3A_42 = vector.load %arg17[%swap3A, %swap3A_41] : memref<4096x128xi32, #tpu.memory_space<vmem>>, vector<4096x128xi32>
      tpu.vector_store %arg17[%swap3A, %swap3A_41], %transpose3A {strides = array<i32>} : memref<4096x128xi32, #tpu.memory_space<vmem>>, vector<4096x128xi32>,
    } else {
    }
    %ge3A = arith.constant 31 : i32
    %ge3A_2 = arith.cmpi sge, %arg0, %ge3A : i32
    %convert_element_type3A_3 = arith.extui %ge3A_2 : i1 to i32
    %cond3A_4 = arith.constant 0 : i32
    %cond3A_5 = arith.cmpi ne, %convert_element_type3A_3, %cond3A_4 : i32
    scf.if %cond3A_5 {
      %get3A = arith.constant 0 : index
      %get3A_6 = arith.constant 0 : index
      %get3A_7 = vector.load %arg9[%get3A, %get3A_6] : memref<32x4096xf32, #tpu.memory_space<vmem>>, vector<32x4096xf32>
      %get3A_8 = arith.constant 0 : index
      %get3A_9 = arith.constant 0 : index
      %get3A_10 = vector.load %arg11[%get3A_8, %get3A_9] : memref<32x4096xf32, #tpu.memory_space<vmem>>, vector<32x4096xf32>
      %get3A_11 = arith.constant 0 : index
      %get3A_12 = arith.constant 0 : index
      %get3A_13 = vector.load %arg13[%get3A_11, %get3A_12] : memref<32x4096xf32, #tpu.memory_space<vmem>>, vector<32x4096xf32>
      %get3A_14 = arith.constant 0 : index
      %get3A_15 = arith.constant 0 : index
      %get3A_16 = vector.load %arg15[%get3A_14, %get3A_15] : memref<32x4096xf32, #tpu.memory_space<vmem>>, vector<32x4096xf32>
      %concatenate3A = tpu.concatenate %get3A_7, %get3A_10, %get3A_13, %get3A_16 in 0 : vector<32x4096xf32>, vector<32x4096xf32>, vector<32x4096xf32>, vector<32x4096xf32> -> vector<128x4096xf32>
      %get3A_17 = arith.constant 0 : index
      %get3A_18 = arith.constant 0 : index
      %get3A_19 = vector.load %arg10[%get3A_17, %get3A_18] : memref<32x4096xf32, #tpu.memory_space<vmem>>, vector<32x4096xf32>
      %get3A_20 = arith.constant 0 : index
      %get3A_21 = arith.constant 0 : index
      %get3A_22 = vector.load %arg12[%get3A_20, %get3A_21] : memref<32x4096xf32, #tpu.memory_space<vmem>>, vector<32x4096xf32>
      %get3A_23 = arith.constant 0 : index
      %get3A_24 = arith.constant 0 : index
      %get3A_25 = vector.load %arg14[%get3A_23, %get3A_24] : memref<32x4096xf32, #tpu.memory_space<vmem>>, vector<32x4096xf32>
      %get3A_26 = arith.constant 0 : index
      %get3A_27 = arith.constant 0 : index
      %get3A_28 = vector.load %arg16[%get3A_26, %get3A_27] : memref<32x4096xf32, #tpu.memory_space<vmem>>, vector<32x4096xf32>
      %concatenate3A_29 = tpu.concatenate %get3A_19, %get3A_22, %get3A_25, %get3A_28 in 0 : vector<32x4096xf32>, vector<32x4096xf32>, vector<32x4096xf32>, vector<32x4096xf32> -> vector<128x4096xf32>
      %bitcast_convert_type3A = tpu.bitcast %concatenate3A : vector<128x4096xf32> -> vector<128x4096xi32>
      %bitcast_convert_type3A_30 = tpu.bitcast %concatenate3A_29 : vector<128x4096xf32> -> vector<128x4096xi32>
      %add3A = arith.constant 32768 : i32
      %add3A_31 = vector.broadcast %add3A : i32 to vector<128x4096xi32>
      %add3A_32 = arith.addi %bitcast_convert_type3A, %add3A_31 : vector<128x4096xi32>
      %shift_right_logical3A = arith.constant 16 : i32
      %shift_right_logical3A_33 = vector.broadcast %shift_right_logical3A : i32 to vector<128x4096xi32>
      %shift_right_logical3A_34 = arith.shrui %add3A_32, %shift_right_logical3A_33 : vector<128x4096xi32>
      %add3A_35 = arith.constant 32768 : i32
      %add3A_36 = vector.broadcast %add3A_35 : i32 to vector<128x4096xi32>
      %add3A_37 = arith.addi %bitcast_convert_type3A_30, %add3A_36 : vector<128x4096xi32>
      %and3A = arith.constant -65536 : i32
      %and3A_38 = vector.broadcast %and3A : i32 to vector<128x4096xi32>
      %and3A_39 = arith.andi %add3A_37, %and3A_38 : vector<128x4096xi32>
      %or3A = arith.ori %and3A_39, %shift_right_logical3A_34 : vector<128x4096xi32>
      %bitcast_convert_type3A_40 = tpu.bitcast %or3A : vector<128x4096xi32> -> vector<128x4096xi32>
      %transpose3A = tpu.transpose %bitcast_convert_type3A_40, [1, 0] : vector<128x4096xi32> -> vector<4096x128xi32>
      %swap3A = arith.constant 0 : index
      %swap3A_41 = arith.constant 0 : index
      %swap3A_42 = vector.load %arg17[%swap3A, %swap3A_41] : memref<4096x128xi32, #tpu.memory_space<vmem>>, vector<4096x128xi32>
      tpu.vector_store %arg17[%swap3A, %swap3A_41], %transpose3A {strides = array<i32>} : memref<4096x128xi32, #tpu.memory_space<vmem>>, vector<4096x128xi32>,
    } else {
    }
    return
  }
  func.func @transform_0(%arg0: i32) -> (i32, i32) {
    %min3A = arith.constant 30 : i32
    %min3A_0 = arith.minsi %arg0, %min3A : i32
    %add3A = arith.constant 0 : i32
    %add3A_1 = arith.addi %add3A, %min3A_0 : i32
    %min3A_2 = arith.constant 244 : i32
    %min3A_3 = arith.minsi %add3A_1, %min3A_2 : i32
    %c0_i32 = arith.constant 0 : i32
    %c0_i32_4 = arith.constant 0 : i32
    return %c0_i32, %min3A_3 : i32, i32
  }
  func.func @transform_1(%arg0: i32) -> (i32, i32) {
    %min3A = arith.constant 30 : i32
    %min3A_0 = arith.minsi %arg0, %min3A : i32
    %add3A = arith.constant 31 : i32
    %add3A_1 = arith.addi %add3A, %min3A_0 : i32
    %min3A_2 = arith.constant 244 : i32
    %min3A_3 = arith.minsi %add3A_1, %min3A_2 : i32
    %c0_i32 = arith.constant 0 : i32
    %c0_i32_4 = arith.constant 0 : i32
    return %c0_i32, %min3A_3 : i32, i32
  }
  func.func @transform_2(%arg0: i32) -> (i32, i32) {
    %min3A = arith.constant 30 : i32
    %min3A_0 = arith.minsi %arg0, %min3A : i32
    %add3A = arith.constant 62 : i32
    %add3A_1 = arith.addi %add3A, %min3A_0 : i32
    %min3A_2 = arith.constant 244 : i32
    %min3A_3 = arith.minsi %add3A_1, %min3A_2 : i32
    %c0_i32 = arith.constant 0 : i32
    %c0_i32_4 = arith.constant 0 : i32
    return %c0_i32, %min3A_3 : i32, i32
  }
  func.func @transform_3(%arg0: i32) -> (i32, i32) {
    %min3A = arith.constant 30 : i32
    %min3A_0 = arith.minsi %arg0, %min3A : i32
    %add3A = arith.constant 93 : i32
    %add3A_1 = arith.addi %add3A, %min3A_0 : i32
    %min3A_2 = arith.constant 244 : i32
    %min3A_3 = arith.minsi %add3A_1, %min3A_2 : i32
    %c0_i32 = arith.constant 0 : i32
    %c0_i32_4 = arith.constant 0 : i32
    return %c0_i32, %min3A_3 : i32, i32
  }
  func.func @transform_4(%arg0: i32) -> (i32, i32) {
    %min3A = arith.constant 30 : i32
    %min3A_0 = arith.minsi %arg0, %min3A : i32
    %add3A = arith.constant 124 : i32
    %add3A_1 = arith.addi %add3A, %min3A_0 : i32
    %min3A_2 = arith.constant 244 : i32
    %min3A_3 = arith.minsi %add3A_1, %min3A_2 : i32
    %c0_i32 = arith.constant 0 : i32
    %c0_i32_4 = arith.constant 0 : i32
    return %c0_i32, %min3A_3 : i32, i32
  }
  func.func @transform_5(%arg0: i32) -> (i32, i32) {
    %min3A = arith.constant 30 : i32
    %min3A_0 = arith.minsi %arg0, %min3A : i32
    %add3A = arith.constant 155 : i32
    %add3A_1 = arith.addi %add3A, %min3A_0 : i32
    %min3A_2 = arith.constant 244 : i32
    %min3A_3 = arith.minsi %add3A_1, %min3A_2 : i32
    %c0_i32 = arith.constant 0 : i32
    %c0_i32_4 = arith.constant 0 : i32
    return %c0_i32, %min3A_3 : i32, i32
  }
  func.func @transform_6(%arg0: i32) -> (i32, i32) {
    %min3A = arith.constant 30 : i32
    %min3A_0 = arith.minsi %arg0, %min3A : i32
    %add3A = arith.constant 186 : i32
    %add3A_1 = arith.addi %add3A, %min3A_0 : i32
    %min3A_2 = arith.constant 244 : i32
    %min3A_3 = arith.minsi %add3A_1, %min3A_2 : i32
    %c0_i32 = arith.constant 0 : i32
    %c0_i32_4 = arith.constant 0 : i32
    return %c0_i32, %min3A_3 : i32, i32
  }
  func.func @transform_7(%arg0: i32) -> (i32, i32) {
    %min3A = arith.constant 30 : i32
    %min3A_0 = arith.minsi %arg0, %min3A : i32
    %add3A = arith.constant 217 : i32
    %add3A_1 = arith.addi %add3A, %min3A_0 : i32
    %min3A_2 = arith.constant 244 : i32
    %min3A_3 = arith.minsi %add3A_1, %min3A_2 : i32
    %c0_i32 = arith.constant 0 : i32
    %c0_i32_4 = arith.constant 0 : i32
    return %c0_i32, %min3A_3 : i32, i32
  }
  func.func @transform_8(%arg0: i32) -> (i32, i32) {
    %sub3A = arith.constant 31 : i32
    %sub3A_0 = arith.subi %arg0, %sub3A : i32
    %jit3A = arith.constant 0 : i32
    %jit3A_1 = arith.constant 3 : i32
    %max3A = arith.maxsi %jit3A, %sub3A_0 : i32
    %min3A = arith.minsi %jit3A_1, %max3A : i32
    %add3A = arith.constant 0 : i32
    %add3A_2 = arith.addi %add3A, %min3A : i32
    %min3A_3 = arith.constant 24 : i32
    %min3A_4 = arith.minsi %add3A_2, %min3A_3 : i32
    %c0_i32 = arith.constant 0 : i32
    %c0_i32_5 = arith.constant 0 : i32
    return %c0_i32, %min3A_4 : i32, i32
  }
  func.func @transform_9(%arg0: i32) -> (i32, i32) {
    %sub3A = arith.constant 31 : i32
    %sub3A_0 = arith.subi %arg0, %sub3A : i32
    %jit3A = arith.constant 0 : i32
    %jit3A_1 = arith.constant 3 : i32
    %max3A = arith.maxsi %jit3A, %sub3A_0 : i32
    %min3A = arith.minsi %jit3A_1, %max3A : i32
    %add3A = arith.constant 4 : i32
    %add3A_2 = arith.addi %add3A, %min3A : i32
    %min3A_3 = arith.constant 24 : i32
    %min3A_4 = arith.minsi %add3A_2, %min3A_3 : i32
    %c0_i32 = arith.constant 0 : i32
    %c0_i32_5 = arith.constant 0 : i32
    return %c0_i32, %min3A_4 : i32, i32
  }
  func.func @transform_10(%arg0: i32) -> (i32, i32) {
    %sub3A = arith.constant 31 : i32
    %sub3A_0 = arith.subi %arg0, %sub3A : i32
    %jit3A = arith.constant 0 : i32
    %jit3A_1 = arith.constant 3 : i32
    %max3A = arith.maxsi %jit3A, %sub3A_0 : i32
    %min3A = arith.minsi %jit3A_1, %max3A : i32
    %add3A = arith.constant 8 : i32
    %add3A_2 = arith.addi %add3A, %min3A : i32
    %min3A_3 = arith.constant 24 : i32
    %min3A_4 = arith.minsi %add3A_2, %min3A_3 : i32
    %c0_i32 = arith.constant 0 : i32
    %c0_i32_5 = arith.constant 0 : i32
    return %c0_i32, %min3A_4 : i32, i32
  }
  func.func @transform_11(%arg0: i32) -> (i32, i32) {
    %sub3A = arith.constant 31 : i32
    %sub3A_0 = arith.subi %arg0, %sub3A : i32
    %jit3A = arith.constant 0 : i32
    %jit3A_1 = arith.constant 3 : i32
    %max3A = arith.maxsi %jit3A, %sub3A_0 : i32
    %min3A = arith.minsi %jit3A_1, %max3A : i32
    %add3A = arith.constant 12 : i32
    %add3A_2 = arith.addi %add3A, %min3A : i32
    %min3A_3 = arith.constant 24 : i32
    %min3A_4 = arith.minsi %add3A_2, %min3A_3 : i32
    %c0_i32 = arith.constant 0 : i32
    %c0_i32_5 = arith.constant 0 : i32
    return %c0_i32, %min3A_4 : i32, i32
  }
  func.func @transform_12(%arg0: i32) -> (i32, i32) {
    %sub3A = arith.constant 31 : i32
    %sub3A_0 = arith.subi %arg0, %sub3A : i32
    %jit3A = arith.constant 0 : i32
    %jit3A_1 = arith.constant 3 : i32
    %max3A = arith.maxsi %jit3A, %sub3A_0 : i32
    %min3A = arith.minsi %jit3A_1, %max3A : i32
    %add3A = arith.constant 16 : i32
    %add3A_2 = arith.addi %add3A, %min3A : i32
    %min3A_3 = arith.constant 24 : i32
    %min3A_4 = arith.minsi %add3A_2, %min3A_3 : i32
    %c0_i32 = arith.constant 0 : i32
    %c0_i32_5 = arith.constant 0 : i32
    return %c0_i32, %min3A_4 : i32, i32
  }
  func.func @transform_13(%arg0: i32) -> (i32, i32) {
    %sub3A = arith.constant 31 : i32
    %sub3A_0 = arith.subi %arg0, %sub3A : i32
    %jit3A = arith.constant 0 : i32
    %jit3A_1 = arith.constant 3 : i32
    %max3A = arith.maxsi %jit3A, %sub3A_0 : i32
    %min3A = arith.minsi %jit3A_1, %max3A : i32
    %add3A = arith.constant 20 : i32
    %add3A_2 = arith.addi %add3A, %min3A : i32
    %min3A_3 = arith.constant 24 : i32
    %min3A_4 = arith.minsi %add3A_2, %min3A_3 : i32
    %c0_i32 = arith.constant 0 : i32
    %c0_i32_5 = arith.constant 0 : i32
    return %c0_i32, %min3A_4 : i32, i32
  }
  func.func @transform_14(%arg0: i32) -> (i32, i32) {
    %sub3A = arith.constant 31 : i32
    %sub3A_0 = arith.subi %arg0, %sub3A : i32
    %jit3A = arith.constant 0 : i32
    %jit3A_1 = arith.constant 3 : i32
    %max3A = arith.maxsi %jit3A, %sub3A_0 : i32
    %min3A = arith.minsi %jit3A_1, %max3A : i32
    %add3A = arith.constant 24 : i32
    %add3A_2 = arith.addi %add3A, %min3A : i32
    %min3A_3 = arith.constant 24 : i32
    %min3A_4 = arith.minsi %add3A_2, %min3A_3 : i32
    %c0_i32 = arith.constant 0 : i32
    %c0_i32_5 = arith.constant 0 : i32
    return %c0_i32, %min3A_4 : i32, i32
  }
  func.func @transform_15(%arg0: i32) -> (i32, i32) {
    %sub3A = arith.constant 31 : i32
    %sub3A_0 = arith.subi %arg0, %sub3A : i32
    %jit3A = arith.constant 0 : i32
    %jit3A_1 = arith.constant 3 : i32
    %max3A = arith.maxsi %jit3A, %sub3A_0 : i32
    %min3A = arith.minsi %jit3A_1, %max3A : i32
    %add3A = arith.constant 28 : i32
    %add3A_2 = arith.addi %add3A, %min3A : i32
    %min3A_3 = arith.constant 24 : i32
    %min3A_4 = arith.minsi %add3A_2, %min3A_3 : i32
    %c0_i32 = arith.constant 0 : i32
    %c0_i32_5 = arith.constant 0 : i32
    return %c0_i32, %min3A_4 : i32, i32
  }
  func.func @transform_16(%arg0: i32) -> (i32, i32) {
    %c0_i32 = arith.constant 0 : i32
    %c0_i32_0 = arith.constant 0 : i32
    return %arg0, %c0_i32 : i32, i32
  }
}

module attributes {stable_mosaic.version = 14 : i64} {
  func.func @_mlp_body(%arg0: i32, %arg1: memref<2048x128xi32, #tpu.memory_space<vmem>>, %arg2: memref<2048x128xi32, #tpu.memory_space<vmem>>, %arg3: memref<2048x8xf32, #tpu.memory_space<vmem>>, %arg4: memref<2048x1xi32, #tpu.memory_space<vmem>>, %arg5: memref<2048x1xi32, #tpu.memory_space<vmem>>, %arg6: memref<128x64xbf16, #tpu.memory_space<vmem>>, %arg7: memref<128x64xbf16, #tpu.memory_space<vmem>>, %arg8: memref<8x64xf32, #tpu.memory_space<vmem>>, %arg9: memref<1x64xf32, #tpu.memory_space<vmem>>, %arg10: memref<1x64xf32, #tpu.memory_space<vmem>>, %arg11: memref<1x1xf32, #tpu.memory_space<vmem>>, %arg12: memref<2048x1xf32, #tpu.memory_space<vmem>>) attributes {dimension_semantics = [#tpu.dimension_semantics<arbitrary>], iteration_bounds = array<i64: 8>, scalar_prefetch = 0 : i64, scratch_operands = 0 : i64, tpu.core_type = #tpu.core_type<tc>, window_params = [{transform_indices = @transform_0, window_bounds = array<i64: 2048, 128>}, {transform_indices = @transform_1, window_bounds = array<i64: 2048, 128>}, {transform_indices = @transform_2, window_bounds = array<i64: 2048, 8>}, {transform_indices = @transform_3, window_bounds = array<i64: 2048, 1>}, {transform_indices = @transform_4, window_bounds = array<i64: 2048, 1>}, {pipeline_mode = #tpu.pipeline_mode<synchronous>, transform_indices = @transform_5, window_bounds = array<i64: 128, 64>}, {pipeline_mode = #tpu.pipeline_mode<synchronous>, transform_indices = @transform_6, window_bounds = array<i64: 128, 64>}, {pipeline_mode = #tpu.pipeline_mode<synchronous>, transform_indices = @transform_7, window_bounds = array<i64: 8, 64>}, {pipeline_mode = #tpu.pipeline_mode<synchronous>, transform_indices = @transform_8, window_bounds = array<i64: 1, 64>}, {pipeline_mode = #tpu.pipeline_mode<synchronous>, transform_indices = @transform_9, window_bounds = array<i64: 1, 64>}, {pipeline_mode = #tpu.pipeline_mode<synchronous>, transform_indices = @transform_10, window_bounds = array<i64: 1, 1>}, {transform_indices = @transform_11, window_bounds = array<i64: 2048, 1>}]} {
    %iota3A = tpu.iota {dimensions = array<i32: 1>} : vector<2048x128xi32>
    %jit3A = arith.constant 32 : i32
    %div3A = vector.broadcast %jit3A : i32 to vector<2048x128xi32>
    %div3A_0 = arith.divsi %iota3A, %div3A : vector<2048x128xi32>
    %sign3A = arith.constant 0 : i32
    %sign3A_1 = vector.broadcast %sign3A : i32 to vector<2048x128xi32>
    %sign3A_2 = arith.cmpi sgt, %iota3A, %sign3A_1 : vector<2048x128xi32>
    %sign3A_3 = arith.extui %sign3A_2 : vector<2048x128xi1> to vector<2048x128xi32>
    %sign3A_4 = arith.constant 0 : i32
    %sign3A_5 = vector.broadcast %sign3A_4 : i32 to vector<2048x128xi32>
    %sign3A_6 = arith.cmpi slt, %iota3A, %sign3A_5 : vector<2048x128xi32>
    %sign3A_7 = arith.extui %sign3A_6 : vector<2048x128xi1> to vector<2048x128xi32>
    %sign3A_8 = arith.subi %sign3A_3, %sign3A_7 : vector<2048x128xi32>
    %sign3A_9 = arith.constant 0 : i32
    %sign3A_10 = arith.cmpi sgt, %jit3A, %sign3A_9 : i32
    %sign3A_11 = arith.extui %sign3A_10 : i1 to i32
    %sign3A_12 = arith.constant 0 : i32
    %sign3A_13 = arith.cmpi slt, %jit3A, %sign3A_12 : i32
    %sign3A_14 = arith.extui %sign3A_13 : i1 to i32
    %sign3A_15 = arith.subi %sign3A_11, %sign3A_14 : i32
    %ne3A = vector.broadcast %sign3A_15 : i32 to vector<2048x128xi32>
    %ne3A_16 = arith.cmpi ne, %sign3A_8, %ne3A : vector<2048x128xi32>
    %rem3A = vector.broadcast %jit3A : i32 to vector<2048x128xi32>
    %rem3A_17 = arith.remsi %iota3A, %rem3A : vector<2048x128xi32>
    %ne3A_18 = arith.constant 0 : i32
    %ne3A_19 = vector.broadcast %ne3A_18 : i32 to vector<2048x128xi32>
    %ne3A_20 = arith.cmpi ne, %rem3A_17, %ne3A_19 : vector<2048x128xi32>
    %and3A = arith.andi %ne3A_16, %ne3A_20 : vector<2048x128xi1>
    %sub3A = arith.constant 1 : i32
    %sub3A_21 = vector.broadcast %sub3A : i32 to vector<2048x128xi32>
    %sub3A_22 = arith.subi %div3A_0, %sub3A_21 : vector<2048x128xi32>
    %select_n3A = arith.select %and3A, %sub3A_22, %div3A_0 : vector<2048x128xi1>, vector<2048x128xi32>
    %get3A = arith.constant 0 : index
    %get3A_23 = arith.constant 0 : index
    %get3A_24 = vector.load %arg1[%get3A, %get3A_23] : memref<2048x128xi32, #tpu.memory_space<vmem>>, vector<2048x128xi32>
    %get3A_25 = arith.constant 0 : index
    %get3A_26 = arith.constant 0 : index
    %get3A_27 = vector.load %arg4[%get3A_25, %get3A_26] : memref<2048x1xi32, #tpu.memory_space<vmem>>, vector<2048x1xi32>
    %shift_right_arithmetic3A = arith.constant 1 : i32
    %shift_right_arithmetic3A_28 = vector.broadcast %shift_right_arithmetic3A : i32 to vector<2048x1xi32>
    %shift_right_arithmetic3A_29 = arith.shrsi %get3A_27, %shift_right_arithmetic3A_28 : vector<2048x1xi32>
    %and3A_30 = arith.constant 1 : i32
    %and3A_31 = vector.broadcast %and3A_30 : i32 to vector<2048x1xi32>
    %and3A_32 = arith.andi %get3A_27, %and3A_31 : vector<2048x1xi32>
    %eq3A = arith.constant 0 : i32
    %eq3A_33 = vector.broadcast %eq3A : i32 to vector<2048x1xi32>
    %eq3A_34 = arith.cmpi eq, %and3A_32, %eq3A_33 : vector<2048x1xi32>
    %shift_left3A = arith.constant 16 : i32
    %shift_left3A_35 = vector.broadcast %shift_left3A : i32 to vector<2048x128xi32>
    %shift_left3A_36 = arith.shli %get3A_24, %shift_left3A_35 : vector<2048x128xi32>
    %and3A_37 = arith.constant -65536 : i32
    %and3A_38 = vector.broadcast %and3A_37 : i32 to vector<2048x128xi32>
    %and3A_39 = arith.andi %get3A_24, %and3A_38 : vector<2048x128xi32>
    %broadcast_in_dim3A = vector.shape_cast %eq3A_34 : vector<2048x1xi1> to vector<2048x1xi1>
    %broadcast_in_dim3A_40 = vector.broadcast %broadcast_in_dim3A : vector<2048x1xi1> to vector<2048x128xi1>
    %select_n3A_41 = arith.select %broadcast_in_dim3A_40, %shift_left3A_36, %and3A_39 : vector<2048x128xi1>, vector<2048x128xi32>
    %bitcast_convert_type3A = tpu.bitcast %select_n3A_41 : vector<2048x128xi32> -> vector<2048x128xf32>
    %eq3A_42 = vector.broadcast %shift_right_arithmetic3A_29 : vector<2048x1xi32> to vector<2048x128xi32>
    %eq3A_43 = arith.cmpi eq, %select_n3A, %eq3A_42 : vector<2048x128xi32>
    %jit3A_44 = arith.constant 0.000000e+00 : f32
    %broadcast_in_dim3A_45 = vector.broadcast %jit3A_44 : f32 to vector<2048x128xf32>
    %select_n3A_46 = arith.select %eq3A_43, %bitcast_convert_type3A, %broadcast_in_dim3A_45 : vector<2048x128xi1>, vector<2048x128xf32>
    %convert_element_type3A = arith.truncf %select_n3A_46 : vector<2048x128xf32> to vector<2048x128xbf16>
    %get3A_47 = arith.constant 0 : index
    %get3A_48 = arith.constant 0 : index
    %get3A_49 = vector.load %arg2[%get3A_47, %get3A_48] : memref<2048x128xi32, #tpu.memory_space<vmem>>, vector<2048x128xi32>
    %get3A_50 = arith.constant 0 : index
    %get3A_51 = arith.constant 0 : index
    %get3A_52 = vector.load %arg5[%get3A_50, %get3A_51] : memref<2048x1xi32, #tpu.memory_space<vmem>>, vector<2048x1xi32>
    %shift_right_arithmetic3A_53 = arith.constant 1 : i32
    %shift_right_arithmetic3A_54 = vector.broadcast %shift_right_arithmetic3A_53 : i32 to vector<2048x1xi32>
    %shift_right_arithmetic3A_55 = arith.shrsi %get3A_52, %shift_right_arithmetic3A_54 : vector<2048x1xi32>
    %and3A_56 = arith.constant 1 : i32
    %and3A_57 = vector.broadcast %and3A_56 : i32 to vector<2048x1xi32>
    %and3A_58 = arith.andi %get3A_52, %and3A_57 : vector<2048x1xi32>
    %eq3A_59 = arith.constant 0 : i32
    %eq3A_60 = vector.broadcast %eq3A_59 : i32 to vector<2048x1xi32>
    %eq3A_61 = arith.cmpi eq, %and3A_58, %eq3A_60 : vector<2048x1xi32>
    %shift_left3A_62 = arith.constant 16 : i32
    %shift_left3A_63 = vector.broadcast %shift_left3A_62 : i32 to vector<2048x128xi32>
    %shift_left3A_64 = arith.shli %get3A_49, %shift_left3A_63 : vector<2048x128xi32>
    %and3A_65 = arith.constant -65536 : i32
    %and3A_66 = vector.broadcast %and3A_65 : i32 to vector<2048x128xi32>
    %and3A_67 = arith.andi %get3A_49, %and3A_66 : vector<2048x128xi32>
    %broadcast_in_dim3A_68 = vector.shape_cast %eq3A_61 : vector<2048x1xi1> to vector<2048x1xi1>
    %broadcast_in_dim3A_69 = vector.broadcast %broadcast_in_dim3A_68 : vector<2048x1xi1> to vector<2048x128xi1>
    %select_n3A_70 = arith.select %broadcast_in_dim3A_69, %shift_left3A_64, %and3A_67 : vector<2048x128xi1>, vector<2048x128xi32>
    %bitcast_convert_type3A_71 = tpu.bitcast %select_n3A_70 : vector<2048x128xi32> -> vector<2048x128xf32>
    %eq3A_72 = vector.broadcast %shift_right_arithmetic3A_55 : vector<2048x1xi32> to vector<2048x128xi32>
    %eq3A_73 = arith.cmpi eq, %select_n3A, %eq3A_72 : vector<2048x128xi32>
    %jit3A_74 = arith.constant 0.000000e+00 : f32
    %broadcast_in_dim3A_75 = vector.broadcast %jit3A_74 : f32 to vector<2048x128xf32>
    %select_n3A_76 = arith.select %eq3A_73, %bitcast_convert_type3A_71, %broadcast_in_dim3A_75 : vector<2048x128xi1>, vector<2048x128xf32>
    %convert_element_type3A_77 = arith.truncf %select_n3A_76 : vector<2048x128xf32> to vector<2048x128xbf16>
    %get3A_78 = arith.constant 0 : index
    %get3A_79 = arith.constant 0 : index
    %get3A_80 = vector.load %arg6[%get3A_78, %get3A_79] : memref<128x64xbf16, #tpu.memory_space<vmem>>, vector<128x64xbf16>
    %dot_general3A = arith.constant dense<0.000000e+00> : vector<2048x64xf32>
    %dot_general3A_81 = tpu.matmul %convert_element_type3A, %get3A_80, %dot_general3A {dimension_numbers = #tpu.dot_dimension_numbers<[1], [0], [0], [1], [0, 0, 1, 1], [], []>, transpose_lhs_hint = false} : vector<2048x128xbf16>, vector<128x64xbf16>, vector<2048x64xf32> -> vector<2048x64xf32>
    %get3A_82 = arith.constant 0 : index
    %get3A_83 = arith.constant 0 : index
    %get3A_84 = vector.load %arg7[%get3A_82, %get3A_83] : memref<128x64xbf16, #tpu.memory_space<vmem>>, vector<128x64xbf16>
    %dot_general3A_85 = arith.constant dense<0.000000e+00> : vector<2048x64xf32>
    %dot_general3A_86 = tpu.matmul %convert_element_type3A_77, %get3A_84, %dot_general3A_85 {dimension_numbers = #tpu.dot_dimension_numbers<[1], [0], [0], [1], [0, 0, 1, 1], [], []>, transpose_lhs_hint = false} : vector<2048x128xbf16>, vector<128x64xbf16>, vector<2048x64xf32> -> vector<2048x64xf32>
    %add3A = arith.addf %dot_general3A_81, %dot_general3A_86 : vector<2048x64xf32>
    %get3A_87 = arith.constant 0 : index
    %get3A_88 = arith.constant 0 : index
    %get3A_89 = vector.load %arg3[%get3A_87, %get3A_88] : memref<2048x8xf32, #tpu.memory_space<vmem>>, vector<2048x8xf32>
    %get3A_90 = arith.constant 0 : index
    %get3A_91 = arith.constant 0 : index
    %get3A_92 = vector.load %arg8[%get3A_90, %get3A_91] : memref<8x64xf32, #tpu.memory_space<vmem>>, vector<8x64xf32>
    %dot_general3A_93 = arith.constant dense<0.000000e+00> : vector<2048x64xf32>
    %dot_general3A_94 = tpu.matmul %get3A_89, %get3A_92, %dot_general3A_93 {dimension_numbers = #tpu.dot_dimension_numbers<[1], [0], [0], [1], [0, 0, 1, 1], [], []>, transpose_lhs_hint = false} : vector<2048x8xf32>, vector<8x64xf32>, vector<2048x64xf32> -> vector<2048x64xf32>
    %add3A_95 = arith.addf %add3A, %dot_general3A_94 : vector<2048x64xf32>
    %get3A_96 = arith.constant 0 : index
    %get3A_97 = arith.constant 0 : index
    %get3A_98 = vector.load %arg9[%get3A_96, %get3A_97] : memref<1x64xf32, #tpu.memory_space<vmem>>, vector<1x64xf32>
    %add3A_99 = vector.broadcast %get3A_98 : vector<1x64xf32> to vector<2048x64xf32>
    %add3A_100 = arith.addf %add3A_95, %add3A_99 : vector<2048x64xf32>
    %max3A = arith.constant 0.000000e+00 : f32
    %max3A_101 = vector.broadcast %max3A : f32 to vector<2048x64xf32>
    %max3A_102 = arith.maximumf %add3A_100, %max3A_101 : vector<2048x64xf32>
    %get3A_103 = arith.constant 0 : index
    %get3A_104 = arith.constant 0 : index
    %get3A_105 = vector.load %arg10[%get3A_103, %get3A_104] : memref<1x64xf32, #tpu.memory_space<vmem>>, vector<1x64xf32>
    %mul3A = vector.broadcast %get3A_105 : vector<1x64xf32> to vector<2048x64xf32>
    %mul3A_106 = arith.mulf %max3A_102, %mul3A : vector<2048x64xf32>
    %reduce_sum3A = arith.constant dense<0.000000e+00> : vector<2048xf32>
    %reduce_sum3A_107 = vector.multi_reduction <add>, %mul3A_106, %reduce_sum3A [1] : vector<2048x64xf32> to vector<2048xf32>
    %broadcast_in_dim3A_108 = vector.shape_cast %reduce_sum3A_107 : vector<2048xf32> to vector<2048x1xf32>
    %get3A_109 = arith.constant 0 : index
    %get3A_110 = arith.constant 0 : index
    %get3A_111 = vector.load %arg11[%get3A_109, %get3A_110] : memref<1x1xf32, #tpu.memory_space<vmem>>, vector<1x1xf32>
    %add3A_112 = vector.broadcast %get3A_111 : vector<1x1xf32> to vector<2048x1xf32>
    %add3A_113 = arith.addf %broadcast_in_dim3A_108, %add3A_112 : vector<2048x1xf32>
    %swap3A = arith.constant 0 : index
    %swap3A_114 = arith.constant 0 : index
    %swap3A_115 = vector.load %arg12[%swap3A, %swap3A_114] : memref<2048x1xf32, #tpu.memory_space<vmem>>, vector<2048x1xf32>
    tpu.vector_store %arg12[%swap3A, %swap3A_114], %add3A_113 {strides = array<i32>} : memref<2048x1xf32, #tpu.memory_space<vmem>>, vector<2048x1xf32>,
    return
  }
  func.func @transform_0(%arg0: i32) -> (i32, i32) {
    %c0_i32 = arith.constant 0 : i32
    %c0_i32_0 = arith.constant 0 : i32
    return %arg0, %c0_i32 : i32, i32
  }
  func.func @transform_1(%arg0: i32) -> (i32, i32) {
    %c0_i32 = arith.constant 0 : i32
    %c0_i32_0 = arith.constant 0 : i32
    return %arg0, %c0_i32 : i32, i32
  }
  func.func @transform_2(%arg0: i32) -> (i32, i32) {
    %c0_i32 = arith.constant 0 : i32
    %c0_i32_0 = arith.constant 0 : i32
    return %arg0, %c0_i32 : i32, i32
  }
  func.func @transform_3(%arg0: i32) -> (i32, i32) {
    %c0_i32 = arith.constant 0 : i32
    %c0_i32_0 = arith.constant 0 : i32
    return %arg0, %c0_i32 : i32, i32
  }
  func.func @transform_4(%arg0: i32) -> (i32, i32) {
    %c0_i32 = arith.constant 0 : i32
    %c0_i32_0 = arith.constant 0 : i32
    return %arg0, %c0_i32 : i32, i32
  }
  func.func @transform_5(%arg0: i32) -> (i32, i32) {
    %c0_i32 = arith.constant 0 : i32
    %c0_i32_0 = arith.constant 0 : i32
    %c0_i32_1 = arith.constant 0 : i32
    return %c0_i32, %c0_i32_0 : i32, i32
  }
  func.func @transform_6(%arg0: i32) -> (i32, i32) {
    %c0_i32 = arith.constant 0 : i32
    %c0_i32_0 = arith.constant 0 : i32
    %c0_i32_1 = arith.constant 0 : i32
    return %c0_i32, %c0_i32_0 : i32, i32
  }
  func.func @transform_7(%arg0: i32) -> (i32, i32) {
    %c0_i32 = arith.constant 0 : i32
    %c0_i32_0 = arith.constant 0 : i32
    %c0_i32_1 = arith.constant 0 : i32
    return %c0_i32, %c0_i32_0 : i32, i32
  }
  func.func @transform_8(%arg0: i32) -> (i32, i32) {
    %c0_i32 = arith.constant 0 : i32
    %c0_i32_0 = arith.constant 0 : i32
    %c0_i32_1 = arith.constant 0 : i32
    return %c0_i32, %c0_i32_0 : i32, i32
  }
  func.func @transform_9(%arg0: i32) -> (i32, i32) {
    %c0_i32 = arith.constant 0 : i32
    %c0_i32_0 = arith.constant 0 : i32
    %c0_i32_1 = arith.constant 0 : i32
    return %c0_i32, %c0_i32_0 : i32, i32
  }
  func.func @transform_10(%arg0: i32) -> (i32, i32) {
    %c0_i32 = arith.constant 0 : i32
    %c0_i32_0 = arith.constant 0 : i32
    %c0_i32_1 = arith.constant 0 : i32
    return %c0_i32, %c0_i32_0 : i32, i32
  }
  func.func @transform_11(%arg0: i32) -> (i32, i32) {
    %c0_i32 = arith.constant 0 : i32
    %c0_i32_0 = arith.constant 0 : i32
    return %arg0, %c0_i32 : i32, i32
  }
}

</mosaic_0001>

<sc_bundles>
// kernel: kernel.6.cloned.1.call-start
scs
__scs_entry_jumppad:
0x0: {  	(pc) =	sbr.rel $0x88, $3  }
0x1: {  	(tag) =	ssettag $0x0;
	lr =	simm.s32 $0x1  }
0x2: {  	[smem:$0x3F98] =	sst lr;
	_ =	strace $0xD0000000  }
0x3: {  	_ = 	snop  }
0x4: {  	_ = 	snop  }
0x5: {  	_ = 	snop  }
0x6: {  	_ = 	snop  }
0x7: {  	_ = 	snop  }
__scs_overlays_trampoline_lowered:
0x8: {  	[smem:$0x3FA7] =	sst s0  }
0x9: {  	[smem:$0x3FA8] =	sst s1  }
0xa: {  	[smem:$0x3FA9] =	sst s2  }
0xb: {  	[smem:$0x3FAA] =	sst s3  }
0xc: {  	[smem:$0x3FAB] =	sst s4  }
0xd: {  	[smem:$0x3FAC] =	sst s5  }
0xe: {  	[smem:$0x3FAD] =	sst s6  }
0xf: {  	[smem:$0x3FAE] =	sst s7  }
0x10: {  	[smem:$0x3FAF] =	sst s8  }
0x11: {  	[smem:$0x3FB0] =	sst s9;
	s0 =	simm.s32 @!p0 $0x0  }
0x12: {  	s1 =	sld [smem:$0x3F96];
	s0 =	simm.s32 @p0 $0x1  }
0x13: {  	[smem:$0x3FB1] =	sst s0;
	s0 =	simm.s32 @!p1 $0x0  }
0x14: {  	s2 =	sld [smem:$0x3F95];
	s0 =	simm.s32 @p1 $0x1  }
0x15: {  	[smem:$0x3FB2] =	sst s0;
	s0 =	simm.s32 @!p2 $0x0  }
0x16: {  	s3 =	sld [smem:$0x3FDB];
	s0 =	simm.s32 @p2 $0x1  }
0x17: {  	s4 =	simm.s32 $0x1BF5;
	[smem:$0x3FB4] =	sst s0  }
0x18: {  	s0 =	sld [smem:$0x3F97];
	_ =	swait.ge [sflag:s4], $0x0  }
0x19: {  	s7 =	sld [smem:$0x3F98]  }
0x1a: {  	s8 =	sadd.s32 $0xFFFFE003, lr  }
0x1b: {  	s9 =	sadd.s32 $0xFFFFFEF7, lr;
	s5 =	simm.s32 $0xFFFFFFFF;
	p2 =	slt.u32 s8, $0xFFFFF086  }
0x1c: {  	p1 =	slt.u32 s9, $0xF7A;
	s5 =	simm.s32 @!p2 $0x0  }
0x1d: {  	s5 =	simm.s32 @p1 $0x1;
	p0 =	seq.s32 s7, s2  }
0x1e: {  	s7 =	smul.u32 @!p0 $0xF7A, s2;
	p2 =	seq.s32 @!p0 s5, $0x0  }
0x1f: {  	s9 =	smul.u32 $0xF7A, s1;
	s8 =	simm.s32 @!p0 $0x1BF5;
	p2 =	por !p2, p0  }
0x20: {  	[sflag:s8] =	ssyncset.s32 @!p0 $0xFFFFF086;
	s6 =	sadd.s32 @!p0 s3, s7;
	s7 =	simm.s32 @!p0 $0x108  }
0x21: {  	s3 =	sadd.s32 s3, s9;
	s6 =	sadd.s32 @!p0 $0x88, s6;
	s7 =	simm.s32 @p2 $0x1082  }
0x22: {  	[simem:s7], [sflag:s8] =	dma.local @!p0 [hbm:s6], $0xF7A  }
0x23: {  	s9 =	sor.u32 $0xD0000000, s2;
	s6 =	simm.s32 $0x108;
	_ =	swait.ge @!p0 [sflag:s8], $0x0  }
0x24: {  	s3 =	sadd.s32 $0x88, s3;
	s6 =	simm.s32 @!p1 $0x1082;
	[sflag:s4] =	ssyncset.s32 $0xFFFFF086  }
0x25: {  	[simem:s6], [sflag:s4] =	dma.local [hbm:s3], $0xF7A  }
0x26: {  	[smem:$0x3F98] =	sst s1;
	(tag) =	ssettag s2;
	_ =	strace s9  }
0x27: {  	s1 =	sld [smem:$0x3FA8]  }
0x28: {  	s2 =	sld [smem:$0x3FA9]  }
0x29: {  	s4 =	sld [smem:$0x3FAB]  }
0x2a: {  	p0 =	seq.s32 s5, $0x0;
	s5 =	sld [smem:$0x3FAC]  }
0x2b: {  	s6 =	sld [smem:$0x3FAD]  }
0x2c: {  	s7 =	sld [smem:$0x3FAE]  }
0x2d: {  	s3 =	simm.s32 $0x108;
	s8 =	sld [smem:$0x3FAF]  }
0x2e: {  	s3 =	simm.s32 @!p0 $0x1082;
	s9 =	sld [smem:$0x3FB0]  }
0x2f: {  	lr =	sadd.s32 s0, s3;
	s0 =	sld [smem:$0x3FA7]  }
0x30: {  	s3 =	sld [smem:$0x3FAA]  }
0x31: {  	[smem:$0x3FB3] =	sst s10  }
0x32: {  	s10 =	sld [smem:$0x3FB1];
	_ =	sdelay $0x3  }
0x33: {  	p0 =	seq.s32 s10, $0x1;
	s10 =	sld [smem:$0x3FB3];
	_ =	sdelay $0x3  }
0x34: {  	[smem:$0x3FB3] =	sst s10  }
0x35: {  	s10 =	sld [smem:$0x3FB2];
	_ =	sdelay $0x3  }
0x36: {  	p1 =	seq.s32 s10, $0x1;
	s10 =	sld [smem:$0x3FB3];
	_ =	sdelay $0x3  }
0x37: {  	[smem:$0x3FB3] =	sst s10  }
0x38: {  	s10 =	sld [smem:$0x3FB4]  }
0x39: {  	_ = 	snop;
	(pc) =	sbr.ind lr, $3  }
0x3a: {  	_ = 	snop  }
0x3b: {  	_ = 	snop  }
0x3c: {  	p2 =	seq.s32 s10, $0x1;
	s10 =	sld [smem:$0x3FB3]  }
0x3d: {  	_ =	shalt  }
0x3e: {  	_ =	shalt  }
0x3f: {  	_ =	shalt  }
0x40: {  	_ =	shalt  }
0x41: {  	_ =	shalt  }
0x42: {  	_ =	shalt  }
0x43: {  	_ =	shalt  }
0x44: {  	_ =	shalt  }
0x45: {  	_ =	shalt  }
0x46: {  	_ =	shalt  }
0x47: {  	_ =	shalt  }
0x48: {  	_ =	shalt  }
0x49: {  	_ =	shalt  }
0x4a: {  	_ =	shalt  }
0x4b: {  	_ =	shalt  }
0x4c: {  	_ =	shalt  }
0x4d: {  	_ =	shalt  }
0x4e: {  	_ =	shalt  }
0x4f: {  	_ =	shalt  }
0x50: {  	_ =	shalt  }
0x51: {  	_ =	shalt  }
0x52: {  	_ =	shalt  }
0x53: {  	_ =	shalt  }
0x54: {  	_ =	shalt  }
0x55: {  	_ =	shalt  }
0x56: {  	_ =	shalt  }
0x57: {  	_ =	shalt  }
0x58: {  	_ =	shalt  }
0x59: {  	_ =	shalt  }
0x5a: {  	_ =	shalt  }
0x5b: {  	_ =	shalt  }
0x5c: {  	_ =	shalt  }
0x5d: {  	_ =	shalt  }
0x5e: {  	_ =	shalt  }
0x5f: {  	_ =	shalt  }
0x60: {  	_ =	shalt  }
0x61: {  	_ =	shalt  }
0x62: {  	_ =	shalt  }
0x63: {  	_ =	shalt  }
0x64: {  	_ =	shalt  }
0x65: {  	_ =	shalt  }
0x66: {  	_ =	shalt  }
0x67: {  	_ =	shalt  }
0x68: {  	_ =	shalt  }
0x69: {  	_ =	shalt  }
0x6a: {  	_ =	shalt  }
0x6b: {  	_ =	shalt  }
0x6c: {  	_ =	shalt  }
0x6d: {  	_ =	shalt  }
0x6e: {  	_ =	shalt  }
0x6f: {  	_ =	shalt  }
0x70: {  	_ =	shalt  }
0x71: {  	_ =	shalt  }
0x72: {  	_ =	shalt  }
0x73: {  	_ =	shalt  }
0x74: {  	_ =	shalt  }
0x75: {  	_ =	shalt  }
0x76: {  	_ =	shalt  }
0x77: {  	_ =	shalt  }
0x78: {  	_ =	shalt  }
0x79: {  	_ =	shalt  }
0x7a: {  	_ =	shalt  }
0x7b: {  	_ =	shalt  }
0x7c: {  	_ =	shalt  }
0x7d: {  	_ =	shalt  }
0x7e: {  	_ =	shalt  }
0x7f: {  	_ =	shalt  }
0x80: {  	_ =	shalt  }
0x81: {  	_ =	shalt  }
0x82: {  	_ =	shalt  }
0x83: {  	_ =	shalt  }
0x84: {  	_ =	shalt  }
0x85: {  	_ =	shalt  }
0x86: {  	_ =	shalt  }
0x87: {  	_ =	shalt  }
.Lfunc_end0:
.L_simem_size_0:
called_computation_lowered:
.L_overlay_start_0:
0x88: {  	s2 =	sld [smem:$0x3FD9]  }
0x89: {  	s3 =	sld [smem:$0x3FFE];
	_ =	sdelay $0x1  }
0x8a: {  	s1 =	srdreg.scid  }
0x8b: {  	s0 =	sand.u32 $0x1, s1  }
0x8c: {  	s16 =	sshll.u32 s0, $0xA;
	s2 =	sadd.s32 s3, s2  }
0x8d: {  	s2 =	sadd.s32 s2, s16  }
0x8e: {  	[smem:$0x3FBF] =	sst s2  }
0x8f: {  	_ = 	snop  }
0x90: {  	(tm) =	ssettm $0x1  }
0x91: {  	s17 =	sld [smem:$0x3FFB];
	_ =	sdelay $0x3  }
0x92: {  	_ =	strace s17  }
0x93: {  	s2 =	sld [smem:$0x3FFC];
	_ =	sdelay $0x3  }
0x94: {  	_ =	strace s2  }
0x95: {  	s2 =	sld [smem:$0x3FFD];
	_ =	sdelay $0x3  }
0x96: {  	_ =	strace s2  }
0x97: {  	_ =	strace $0x8FFFFFFF  }
0x98: {  	s18 =	sld [smem:$0x3FDB];
	_ =	sdelay $0x1  }
0x99: {  	s19 =	simm.s32 $_scs_section_size  }
0x9a: {  	s4 =	simm.s32 $_size__tile_overlayer_lowered;
	s5 =	simm.s32 $_tile_overlayer_lowered  }
0x9b: {  	s22 =	simm.s32 $0x1BFF;
	s21 =	sshll.u32 s5, $0x1;
	s2 =	sadd.s32 s19, s18  }
0x9c: {  	s6 =	simm.s32 $0x0;
	s20 =	sshll.u32 s4, $0x1;
	s4 =	sadd.s32 s21, s2  }
0x9d: {  	[timem:s6], [sflag:s22] =	dma.local [hbm:s4], s20  }
0x9e: {  	_ =	swait.ge [sflag:s22], s20  }
0x9f: {  	s3 =	ssub.s32 $0x0, s20;
	[sflag:s22] =	ssyncset.done $0x0  }
0xa0: {  	[sflag:s22] =	ssyncadd.s32 s3;
	_ =	sdelay $0x1  }
0xa1: {  	s23 =	simm.s32 $0x1B8B  }
0xa2: {  	_ =	swait.ge [sflag:s23], $0x1  }
0xa3: {  	[sflag:s23] =	ssyncset.done $0x0  }
0xa4: {  	s25 =	simm.s32 $0x1B8E;
	s24 =	sld [smem:$0x3FFE];
	[sflag:s23] =	ssyncadd.s32 $0xFFFFFFFF  }
0xa5: {  	s26 =	simm.s32 $execute0_lowered;
	[smem:$0x3FD2] =	sst s25  }
0xa6: {  	s4 =	sshll.u32 s26, $0x1;
	_ =	strace $0x80000046;
	[dreg:$0x1] =	wrdreg $0xFFFFFFFF  }
0xa7: {  	s28 =	simm.s32 $_size_execute0_lowered;
	s2 =	sadd.s32 s2, s4;
	[dreg:$0x0] =	wrdreg $0x0  }
0xa8: {  	s4 =	sshll.u32 s28, $0x1;
	[dreg:$0x2] =	wrdreg s2  }
0xa9: {  	[dreg:$0x3] =	wrdreg s4  }
0xaa: {  	[dreg:$0x4] =	wrdreg $0xC0  }
0xab: {  	_ =	task [dreg:s6], $0x5FFFF  }
0xac: {  	[dreg:$0x1] =	wrdreg $0xFFFFFFFF  }
0xad: {  	[dreg:$0x0] =	wrdreg $0x60  }
0xae: {  	[dreg:$0x2] =	wrdreg s24  }
0xaf: {  	[dreg:$0x3] =	wrdreg $0x9  }
0xb0: {  	_ =	task.clear_ibuf [dreg:s6], $0x4FFFF;
	_ =	strace $0x90000046  }
0xb1: {  	s29 =	simm.s32 $0x9;
	_ =	strace $0x80000048  }
0xb2: {  	_ =	swait.ge [sflag:s29], $0x1  }
0xb3: {  	[sflag:s29] =	ssyncadd.s32 $0xFFFFFFFF  }
0xb4: {  	_ =	strace $0x90000048  }
0xb5: {  	_ =	sfence  }
0xb6: {  	s30 =	sld [smem:$0x0];
	_ =	sdelay $0x2  }
0xb7: {  	s31 =	sshll.u32 s1, $0xD;
	s1 =	sshrl.u32 s1, $0x2  }
0xb8: {  	s3 =	sand.u32 $0x4000, s31;
	s1 =	sadd.s32 s1, s30  }
0xb9: {  	s0 =	sor.u32 s3, s0;
	s1 =	sshll.u32 s1, $0x11  }
0xba: {  	s0 =	sor.u32 s1, s0  }
0xbb: {  	s0 =	sadd.s32 $0x8F2B, s0  }
0xbc: {  	[sflag:s0] =	ssyncadd.remote.s32 $0x1  }
0xbd: {  	_ =	sfence.sel $0xFFFF  }
0xbe: {  	[dreg:$0x0] =	wrdreg $0xFFFFFFFF;
	(pc) =	sbr.abs _section_cstart, $3  }
0xbf: {  	[dreg:$0x1] =	wrdreg $0xFFFFFFFF  }
0xc0: {  	_ =	task.clear_ibuf [dreg:s6], $0x2FFFF;
	_ =	strace $0x9FFFFFFF  }
0xc1: {  	(tm) =	ssettm $0x7FFFFFFF  }
tec
execute0_lowered:
.L_overlay_start_1:
0x0: {  	(tag) =	ssettag $0x1  }
0x1: {  	s1 =	srdreg.scid  }
0x2: {  	s0 =	stileid.u32;
	s6 =	sand.u32 $0x1, s1  }
0x3: {  	s8 =	rddreg [dreg:$0x0];
	s30 =	sshll.u32 s0, $0xA;
	s2 =	sshll.u32 s6, $0x9  }
0x4: {  	s7 =	simm.s32 $0x1;
	s1 =	rddreg [dreg:$0x1];
	s9 =	sor.u32 s2, s30  }
0x5: {  	s5 =	sadd.s32 $0x2A00, s8;
	s2 =	simm.s32 $0x0;
	s3 =	sshrl.u32 s9, $0x3  }
0x6: {  	s10 =	ssub.s32 $0x2, s6;
	[smem:$0x7FF] =	sst s2;
	s3 =	sadd.s32 s3, s8  }
0x7: {  	_ =	strace $0x80000047;
	s4 =	sadd.s32 $0x2200, s3;
	s3 =	simm.s32 $0x2  }
0x8: {  	[tilespmem:s2], [sflag:$0x2] =	stream.linear.gather [hbm4b:s4+s2], $0x200, $0x38;
	[tilespmem:$0x10200] =	vst v63  }
0x9: {  	s6 =	simm.s32 $0x200;
	s11 =	sshrl.u32 s10, $0x1;
	_ =	swait.ge [sflag:s3], $0x200  }
0xa: {  	s9 =	sshll.u32 s9, $0x4;
	s31 =	ssub.s32 s10, s11;
	[sflag:s3] =	ssyncset.done $0x0  }
0xb: {  	s8 =	sadd.s32 s9, s8;
	s9 =	smax.u32 s31, $0x1;
	[sflag:s3] =	ssyncadd.s32 $0xFFFFFE00  }
0xc: {  	[tilespmem:s6], [sflag:$0x1] =	stream.indirect.gather [hbm4b:s5+s6], $0x80, s2, s6, $0xb8;
	[tilespmem:$0x10200] =	vst v63  }
0xd: {  	p0 =	sne.s32 s9, $0x1;
	_ =	swait.ge [sflag:s7], $0x10000  }
.Ltmp0:
0xe: {  	[sflag:s7] =	ssyncset.done $0x0;
	(pc) =	sbr.rel @!p0 .LBB2_2-.Ltmp0, $4  }
0xf: {  	s8 =	sadd.s32 $0x232A00, s8;
	[sflag:s7] =	ssyncadd.s32 $0xFFFF0000  }
0x10: {  	[hbm4b:s8+s2] =	stream.linear.scatter [tilespmem:s6], [sflag:$0x2], $0x10000, $0x38;
	[tilespmem:$0x10200] =	vst v63  }
0x11: {  	_ =	swait.ge [sflag:s3], $0x10000  }
0x12: {  	s9 =	sadd.s32 $0xFFFFFFFF, s9;
	[sflag:s3] =	ssyncset.done $0x0  }
.LBB2_1:
0x13: {  	p0 =	sne.s32 s9, $0x1;
	s9 =	sadd.s32 $0xFFFFFFFF, s9;
	[sflag:s3] =	ssyncadd.s32 $0xFFFF0000  }
0x14: {  	[tilespmem:s2], [sflag:$0x2] =	stream.linear.gather [hbm4b:s4+s2], $0x200, $0x38;
	[tilespmem:$0x10200] =	vst v63  }
0x15: {  	_ =	swait.ge [sflag:s3], $0x200  }
0x16: {  	[sflag:s3] =	ssyncset.done $0x0  }
0x17: {  	[sflag:s3] =	ssyncadd.s32 $0xFFFFFE00  }
0x18: {  	[tilespmem:s6], [sflag:$0x1] =	stream.indirect.gather [hbm4b:s5+s6], $0x80, s2, s6, $0xb8;
	[tilespmem:$0x10200] =	vst v63  }
0x19: {  	_ =	swait.ge [sflag:s7], $0x10000  }
.Ltmp1:
0x1a: {  	[sflag:s7] =	ssyncset.done $0x0;
	(pc) =	sbr.rel @p0 .LBB2_1-.Ltmp1, $4  }
0x1b: {  	[sflag:s7] =	ssyncadd.s32 $0xFFFF0000  }
0x1c: {  	[hbm4b:s8+s2] =	stream.linear.scatter [tilespmem:s6], [sflag:$0x2], $0x10000, $0x38;
	[tilespmem:$0x10200] =	vst v63  }
0x1d: {  	_ =	swait.ge [sflag:s3], $0x10000  }
0x1e: {  	[sflag:s3] =	ssyncset.done $0x0  }
.LBB2_2:
0x1f: {  	[sflag:s3] =	ssyncadd.s32 $0xFFFF0000  }
0x20: {  	_ =	sfence.sel $0x180000  }
0x21: {  	[bflag:$0x0] =	sbarrier.arrive $0xFFFF  }
0x22: {  	p0 =	sne.s32 s0, $0x0;
	_ =	strace $0x90000047  }
0x23: {  	s0 =	sadd.s32 @!p0 $0x100000, s1;
	[bflag:$0x2] =	sbarrier.arrive $0xFFFF  }
0x24: {  	[sflag:s0] =	ssyncadd.tile.s32 @!p0 $0x1;
	_ =	shalt  }
.Lfunc_end2:
_tile_overlayer_lowered:
.L_overlay_start_2:
0x25: {  	(tag) =	ssettag $0x2  }
0x26: {  	s0 =	rddreg [dreg:$0x0];
	s2 =	stileid.u32  }
0x27: {  	s1 =	rddreg [dreg:$0x1];
	p0 =	sne.s32 s2, $0x0  }
0x28: {  	s3 =	rddreg [dreg:$0x2];
	[bflag:$0x3] =	sbarrier.arrive $0xFFFF;
	s2 =	simm.s32 @!p0 $0x1C02  }
0x29: {  	[timem:s3], [sflag:s2] =	dma.local @!p0 [hbm:s0], s1  }
0x2a: {  	s0 =	simm.s32 @!p0 $0x2  }
0x2b: {  	_ =	swait.ge @!p0 [sflag:s0], s1  }
0x2c: {  	s1 =	ssub.s32 @!p0 $0x0, s1;
	[sflag:s0] =	ssyncset.done @!p0 $0x0  }
0x2d: {  	[sflag:s0] =	ssyncadd.s32 @!p0 s1  }
0x2e: {  	[bflag:$0x3] =	sbarrier.arrive $0xFFFF  }
0x2f: {  	_ =	shalt  }

// kernel: kernel.9.cloned.1.call-start
scs
__scs_entry_jumppad:
0x0: {  	(pc) =	sbr.rel $0x88, $3  }
0x1: {  	(tag) =	ssettag $0x0;
	lr =	simm.s32 $0x1  }
0x2: {  	[smem:$0x3F98] =	sst lr;
	_ =	strace $0xD0000000  }
0x3: {  	_ = 	snop  }
0x4: {  	_ = 	snop  }
0x5: {  	_ = 	snop  }
0x6: {  	_ = 	snop  }
0x7: {  	_ = 	snop  }
__scs_overlays_trampoline_lowered:
0x8: {  	[smem:$0x3FA7] =	sst s0  }
0x9: {  	[smem:$0x3FA8] =	sst s1  }
0xa: {  	[smem:$0x3FA9] =	sst s2  }
0xb: {  	[smem:$0x3FAA] =	sst s3  }
0xc: {  	[smem:$0x3FAB] =	sst s4  }
0xd: {  	[smem:$0x3FAC] =	sst s5  }
0xe: {  	[smem:$0x3FAD] =	sst s6  }
0xf: {  	[smem:$0x3FAE] =	sst s7  }
0x10: {  	[smem:$0x3FAF] =	sst s8  }
0x11: {  	[smem:$0x3FB0] =	sst s9;
	s0 =	simm.s32 @!p0 $0x0  }
0x12: {  	s1 =	sld [smem:$0x3F96];
	s0 =	simm.s32 @p0 $0x1  }
0x13: {  	[smem:$0x3FB1] =	sst s0;
	s0 =	simm.s32 @!p1 $0x0  }
0x14: {  	s2 =	sld [smem:$0x3F95];
	s0 =	simm.s32 @p1 $0x1  }
0x15: {  	[smem:$0x3FB2] =	sst s0;
	s0 =	simm.s32 @!p2 $0x0  }
0x16: {  	s3 =	sld [smem:$0x3FDB];
	s0 =	simm.s32 @p2 $0x1  }
0x17: {  	s4 =	simm.s32 $0x1BF5;
	[smem:$0x3FB4] =	sst s0  }
0x18: {  	s0 =	sld [smem:$0x3F97];
	_ =	swait.ge [sflag:s4], $0x0  }
0x19: {  	s7 =	sld [smem:$0x3F98]  }
0x1a: {  	s8 =	sadd.s32 $0xFFFFE003, lr  }
0x1b: {  	s9 =	sadd.s32 $0xFFFFFEF7, lr;
	s5 =	simm.s32 $0xFFFFFFFF;
	p2 =	slt.u32 s8, $0xFFFFF086  }
0x1c: {  	p1 =	slt.u32 s9, $0xF7A;
	s5 =	simm.s32 @!p2 $0x0  }
0x1d: {  	s5 =	simm.s32 @p1 $0x1;
	p0 =	seq.s32 s7, s2  }
0x1e: {  	s7 =	smul.u32 @!p0 $0xF7A, s2;
	p2 =	seq.s32 @!p0 s5, $0x0  }
0x1f: {  	s9 =	smul.u32 $0xF7A, s1;
	s8 =	simm.s32 @!p0 $0x1BF5;
	p2 =	por !p2, p0  }
0x20: {  	[sflag:s8] =	ssyncset.s32 @!p0 $0xFFFFF086;
	s6 =	sadd.s32 @!p0 s3, s7;
	s7 =	simm.s32 @!p0 $0x108  }
0x21: {  	s3 =	sadd.s32 s3, s9;
	s6 =	sadd.s32 @!p0 $0x88, s6;
	s7 =	simm.s32 @p2 $0x1082  }
0x22: {  	[simem:s7], [sflag:s8] =	dma.local @!p0 [hbm:s6], $0xF7A  }
0x23: {  	s9 =	sor.u32 $0xD0000000, s2;
	s6 =	simm.s32 $0x108;
	_ =	swait.ge @!p0 [sflag:s8], $0x0  }
0x24: {  	s3 =	sadd.s32 $0x88, s3;
	s6 =	simm.s32 @!p1 $0x1082;
	[sflag:s4] =	ssyncset.s32 $0xFFFFF086  }
0x25: {  	[simem:s6], [sflag:s4] =	dma.local [hbm:s3], $0xF7A  }
0x26: {  	[smem:$0x3F98] =	sst s1;
	(tag) =	ssettag s2;
	_ =	strace s9  }
0x27: {  	s1 =	sld [smem:$0x3FA8]  }
0x28: {  	s2 =	sld [smem:$0x3FA9]  }
0x29: {  	s4 =	sld [smem:$0x3FAB]  }
0x2a: {  	p0 =	seq.s32 s5, $0x0;
	s5 =	sld [smem:$0x3FAC]  }
0x2b: {  	s6 =	sld [smem:$0x3FAD]  }
0x2c: {  	s7 =	sld [smem:$0x3FAE]  }
0x2d: {  	s3 =	simm.s32 $0x108;
	s8 =	sld [smem:$0x3FAF]  }
0x2e: {  	s3 =	simm.s32 @!p0 $0x1082;
	s9 =	sld [smem:$0x3FB0]  }
0x2f: {  	lr =	sadd.s32 s0, s3;
	s0 =	sld [smem:$0x3FA7]  }
0x30: {  	s3 =	sld [smem:$0x3FAA]  }
0x31: {  	[smem:$0x3FB3] =	sst s10  }
0x32: {  	s10 =	sld [smem:$0x3FB1];
	_ =	sdelay $0x3  }
0x33: {  	p0 =	seq.s32 s10, $0x1;
	s10 =	sld [smem:$0x3FB3];
	_ =	sdelay $0x3  }
0x34: {  	[smem:$0x3FB3] =	sst s10  }
0x35: {  	s10 =	sld [smem:$0x3FB2];
	_ =	sdelay $0x3  }
0x36: {  	p1 =	seq.s32 s10, $0x1;
	s10 =	sld [smem:$0x3FB3];
	_ =	sdelay $0x3  }
0x37: {  	[smem:$0x3FB3] =	sst s10  }
0x38: {  	s10 =	sld [smem:$0x3FB4]  }
0x39: {  	_ = 	snop;
	(pc) =	sbr.ind lr, $3  }
0x3a: {  	_ = 	snop  }
0x3b: {  	_ = 	snop  }
0x3c: {  	p2 =	seq.s32 s10, $0x1;
	s10 =	sld [smem:$0x3FB3]  }
0x3d: {  	_ =	shalt  }
0x3e: {  	_ =	shalt  }
0x3f: {  	_ =	shalt  }
0x40: {  	_ =	shalt  }
0x41: {  	_ =	shalt  }
0x42: {  	_ =	shalt  }
0x43: {  	_ =	shalt  }
0x44: {  	_ =	shalt  }
0x45: {  	_ =	shalt  }
0x46: {  	_ =	shalt  }
0x47: {  	_ =	shalt  }
0x48: {  	_ =	shalt  }
0x49: {  	_ =	shalt  }
0x4a: {  	_ =	shalt  }
0x4b: {  	_ =	shalt  }
0x4c: {  	_ =	shalt  }
0x4d: {  	_ =	shalt  }
0x4e: {  	_ =	shalt  }
0x4f: {  	_ =	shalt  }
0x50: {  	_ =	shalt  }
0x51: {  	_ =	shalt  }
0x52: {  	_ =	shalt  }
0x53: {  	_ =	shalt  }
0x54: {  	_ =	shalt  }
0x55: {  	_ =	shalt  }
0x56: {  	_ =	shalt  }
0x57: {  	_ =	shalt  }
0x58: {  	_ =	shalt  }
0x59: {  	_ =	shalt  }
0x5a: {  	_ =	shalt  }
0x5b: {  	_ =	shalt  }
0x5c: {  	_ =	shalt  }
0x5d: {  	_ =	shalt  }
0x5e: {  	_ =	shalt  }
0x5f: {  	_ =	shalt  }
0x60: {  	_ =	shalt  }
0x61: {  	_ =	shalt  }
0x62: {  	_ =	shalt  }
0x63: {  	_ =	shalt  }
0x64: {  	_ =	shalt  }
0x65: {  	_ =	shalt  }
0x66: {  	_ =	shalt  }
0x67: {  	_ =	shalt  }
0x68: {  	_ =	shalt  }
0x69: {  	_ =	shalt  }
0x6a: {  	_ =	shalt  }
0x6b: {  	_ =	shalt  }
0x6c: {  	_ =	shalt  }
0x6d: {  	_ =	shalt  }
0x6e: {  	_ =	shalt  }
0x6f: {  	_ =	shalt  }
0x70: {  	_ =	shalt  }
0x71: {  	_ =	shalt  }
0x72: {  	_ =	shalt  }
0x73: {  	_ =	shalt  }
0x74: {  	_ =	shalt  }
0x75: {  	_ =	shalt  }
0x76: {  	_ =	shalt  }
0x77: {  	_ =	shalt  }
0x78: {  	_ =	shalt  }
0x79: {  	_ =	shalt  }
0x7a: {  	_ =	shalt  }
0x7b: {  	_ =	shalt  }
0x7c: {  	_ =	shalt  }
0x7d: {  	_ =	shalt  }
0x7e: {  	_ =	shalt  }
0x7f: {  	_ =	shalt  }
0x80: {  	_ =	shalt  }
0x81: {  	_ =	shalt  }
0x82: {  	_ =	shalt  }
0x83: {  	_ =	shalt  }
0x84: {  	_ =	shalt  }
0x85: {  	_ =	shalt  }
0x86: {  	_ =	shalt  }
0x87: {  	_ =	shalt  }
.Lfunc_end0:
.L_simem_size_0:
called_computation.1_lowered:
.L_overlay_start_0:
0x88: {  	s2 =	sld [smem:$0x3FD9]  }
0x89: {  	s3 =	sld [smem:$0x3FFE];
	_ =	sdelay $0x1  }
0x8a: {  	s1 =	srdreg.scid  }
0x8b: {  	s0 =	sand.u32 $0x1, s1  }
0x8c: {  	s17 =	sshll.u32 s0, $0xA;
	s2 =	sadd.s32 s3, s2  }
0x8d: {  	s2 =	sadd.s32 s2, s17  }
0x8e: {  	[smem:$0x3FBF] =	sst s2  }
0x8f: {  	_ = 	snop  }
0x90: {  	(tm) =	ssettm $0x1  }
0x91: {  	s18 =	sld [smem:$0x3FFB];
	_ =	sdelay $0x3  }
0x92: {  	_ =	strace s18  }
0x93: {  	s2 =	sld [smem:$0x3FFC];
	_ =	sdelay $0x3  }
0x94: {  	_ =	strace s2  }
0x95: {  	s2 =	sld [smem:$0x3FFD];
	_ =	sdelay $0x3  }
0x96: {  	_ =	strace s2  }
0x97: {  	_ =	strace $0x8FFFFFFF  }
0x98: {  	s19 =	sld [smem:$0x3FDB];
	_ =	sdelay $0x1  }
0x99: {  	s20 =	simm.s32 $_scs_section_size  }
0x9a: {  	s4 =	simm.s32 $_size__tile_overlayer_lowered;
	s5 =	simm.s32 $_tile_overlayer_lowered  }
0x9b: {  	s6 =	simm.s32 $0x1BFF;
	s21 =	sshll.u32 s5, $0x1;
	s3 =	sadd.s32 s20, s19  }
0x9c: {  	s22 =	simm.s32 $0x0;
	s4 =	sshll.u32 s4, $0x1;
	s5 =	sadd.s32 s21, s3  }
0x9d: {  	[timem:s22], [sflag:s6] =	dma.local [hbm:s5], s4  }
0x9e: {  	_ =	swait.ge [sflag:s6], s4  }
0x9f: {  	s4 =	ssub.s32 $0x0, s4;
	[sflag:s6] =	ssyncset.done $0x0  }
0xa0: {  	[sflag:s6] =	ssyncadd.s32 s4;
	_ =	sdelay $0x1  }
0xa1: {  	s23 =	simm.s32 $0x1B8B  }
0xa2: {  	_ =	swait.ge [sflag:s23], $0x1  }
0xa3: {  	[sflag:s23] =	ssyncset.done $0x0  }
0xa4: {  	[sflag:s23] =	ssyncadd.s32 $0xFFFFFFFF  }
0xa5: {  	s4 =	sld [smem:$0x0]  }
0xa6: {  	s5 =	sand.u32 $0xFFFFFFFE, s1  }
0xa7: {  	p0 =	sne.s32 s1, s5  }
0xa8: {  	s5 =	sshll.u32 @p0 s5, $0xE  }
0xa9: {  	s5 =	sadd.s32 @p0 $0x11B8D, s5;
	s6 =	sshll.u32 @p0 s4, $0x11  }
0xaa: {  	s5 =	sor.u32 @p0 s6, s5  }
0xab: {  	[sflag:s5] =	ssyncadd.remote.s32 @p0 $0x1;
	_ =	sdelay $0x1  }
0xac: {  	s5 =	simm.s32 @p0 $0x1B8D  }
0xad: {  	_ =	swait.eq @p0 [sflag:s5], $0x1  }
0xae: {  	[sflag:s5] =	ssyncadd.s32 @p0 $0xFFFFFFFF  }
0xaf: {  	s6 =	sshll.u32 @!p0 s1, $0xE  }
0xb0: {  	s6 =	sor.u32 @!p0 $0x4000, s6;
	s5 =	simm.s32 @!p0 $0x1B8D  }
0xb1: {  	s4 =	sshll.u32 @!p0 s4, $0x11;
	s6 =	sadd.s32 @!p0 $0x11B8D, s6;
	_ =	swait.eq @!p0 [sflag:s5], $0x1  }
0xb2: {  	s4 =	sor.u32 @!p0 s4, s6;
	[sflag:s5] =	ssyncadd.s32 @!p0 $0xFFFFFFFF  }
0xb3: {  	s25 =	simm.s32 $0x1B8E;
	s24 =	sld [smem:$0x3FFE];
	[sflag:s4] =	ssyncadd.remote.s32 @!p0 $0x1  }
0xb4: {  	s26 =	simm.s32 $execute0_lowered;
	[smem:$0x3FD2] =	sst s25  }
0xb5: {  	s5 =	sshll.u32 s26, $0x1;
	_ =	strace $0x80000049;
	[dreg:$0x1] =	wrdreg $0xFFFFFFFF  }
0xb6: {  	s28 =	simm.s32 $_size_execute0_lowered;
	s3 =	sadd.s32 s3, s5;
	[dreg:$0x0] =	wrdreg $0x0  }
0xb7: {  	s5 =	sshll.u32 s28, $0x1;
	[dreg:$0x2] =	wrdreg s3  }
0xb8: {  	[dreg:$0x3] =	wrdreg s5  }
0xb9: {  	[dreg:$0x4] =	wrdreg $0xC0  }
0xba: {  	_ =	task [dreg:s22], $0x5FFFF  }
0xbb: {  	[dreg:$0x1] =	wrdreg $0xFFFFFFFF  }
0xbc: {  	[dreg:$0x0] =	wrdreg $0x60  }
0xbd: {  	[dreg:$0x2] =	wrdreg s24  }
0xbe: {  	[dreg:$0x3] =	wrdreg $0xA  }
0xbf: {  	_ =	task.clear_ibuf [dreg:s22], $0x4FFFF;
	_ =	strace $0x90000049  }
0xc0: {  	s29 =	simm.s32 $0xA;
	_ =	strace $0x8000004B  }
0xc1: {  	_ =	swait.ge [sflag:s29], $0x1  }
0xc2: {  	[sflag:s29] =	ssyncadd.s32 $0xFFFFFFFF  }
0xc3: {  	_ =	strace $0x9000004B  }
0xc4: {  	_ =	sfence  }
0xc5: {  	s30 =	sld [smem:$0x0];
	_ =	sdelay $0x2  }
0xc6: {  	s31 =	sshll.u32 s1, $0xD;
	s1 =	sshrl.u32 s1, $0x2  }
0xc7: {  	s4 =	sand.u32 $0x4000, s31;
	s1 =	sadd.s32 s1, s30  }
0xc8: {  	s0 =	sor.u32 s4, s0;
	s1 =	sshll.u32 s1, $0x11  }
0xc9: {  	s0 =	sor.u32 s1, s0  }
0xca: {  	s0 =	sadd.s32 $0x8F2B, s0  }
0xcb: {  	[sflag:s0] =	ssyncadd.remote.s32 $0x1  }
0xcc: {  	_ =	sfence.sel $0xFFFF  }
0xcd: {  	[dreg:$0x0] =	wrdreg $0xFFFFFFFF;
	(pc) =	sbr.abs _section_cstart, $3  }
0xce: {  	[dreg:$0x1] =	wrdreg $0xFFFFFFFF  }
0xcf: {  	_ =	task.clear_ibuf [dreg:s22], $0x2FFFF;
	_ =	strace $0x9FFFFFFF  }
0xd0: {  	(tm) =	ssettm $0x7FFFFFFF  }
0xd1: {  	_ =	shalt  }
tec
execute0_lowered:
.L_overlay_start_1:
0x0: {  	(tag) =	ssettag $0x1  }
0x1: {  	s1 =	srdreg.scid  }
0x2: {  	s0 =	stileid.u32;
	s6 =	sand.u32 $0x1, s1  }
0x3: {  	s8 =	rddreg [dreg:$0x0];
	s30 =	sshll.u32 s0, $0xA;
	s2 =	sshll.u32 s6, $0x9  }
0x4: {  	s7 =	simm.s32 $0x1;
	s1 =	rddreg [dreg:$0x1];
	s9 =	sor.u32 s2, s30  }
0x5: {  	s5 =	sadd.s32 $0x2A00, s8;
	s2 =	simm.s32 $0x0;
	s3 =	sshrl.u32 s9, $0x3  }
0x6: {  	s10 =	ssub.s32 $0x2, s6;
	[smem:$0x7FF] =	sst s2;
	s3 =	sadd.s32 s3, s8  }
0x7: {  	_ =	strace $0x8000004A;
	s4 =	sadd.s32 $0x272A00, s3;
	s3 =	simm.s32 $0x2  }
0x8: {  	[tilespmem:s2], [sflag:$0x2] =	stream.linear.gather [hbm4b:s4+s2], $0x200, $0x38;
	[tilespmem:$0x10200] =	vst v63  }
0x9: {  	s6 =	simm.s32 $0x200;
	s11 =	sshrl.u32 s10, $0x1;
	_ =	swait.ge [sflag:s3], $0x200  }
0xa: {  	s9 =	sshll.u32 s9, $0x4;
	s31 =	ssub.s32 s10, s11;
	[sflag:s3] =	ssyncset.done $0x0  }
0xb: {  	s8 =	sadd.s32 s9, s8;
	s9 =	smax.u32 s31, $0x1;
	[sflag:s3] =	ssyncadd.s32 $0xFFFFFE00  }
0xc: {  	[tilespmem:s6], [sflag:$0x1] =	stream.indirect.gather [hbm4b:s5+s6], $0x80, s2, s6, $0xb8;
	[tilespmem:$0x10200] =	vst v63  }
0xd: {  	p0 =	sne.s32 s9, $0x1;
	_ =	swait.ge [sflag:s7], $0x10000  }
.Ltmp0:
0xe: {  	[sflag:s7] =	ssyncset.done $0x0;
	(pc) =	sbr.rel @!p0 .LBB2_2-.Ltmp0, $4  }
0xf: {  	s8 =	sadd.s32 $0x273200, s8;
	[sflag:s7] =	ssyncadd.s32 $0xFFFF0000  }
0x10: {  	[hbm4b:s8+s2] =	stream.linear.scatter [tilespmem:s6], [sflag:$0x2], $0x10000, $0x38;
	[tilespmem:$0x10200] =	vst v63  }
0x11: {  	_ =	swait.ge [sflag:s3], $0x10000  }
0x12: {  	s9 =	sadd.s32 $0xFFFFFFFF, s9;
	[sflag:s3] =	ssyncset.done $0x0  }
.LBB2_1:
0x13: {  	p0 =	sne.s32 s9, $0x1;
	s9 =	sadd.s32 $0xFFFFFFFF, s9;
	[sflag:s3] =	ssyncadd.s32 $0xFFFF0000  }
0x14: {  	[tilespmem:s2], [sflag:$0x2] =	stream.linear.gather [hbm4b:s4+s2], $0x200, $0x38;
	[tilespmem:$0x10200] =	vst v63  }
0x15: {  	_ =	swait.ge [sflag:s3], $0x200  }
0x16: {  	[sflag:s3] =	ssyncset.done $0x0  }
0x17: {  	[sflag:s3] =	ssyncadd.s32 $0xFFFFFE00  }
0x18: {  	[tilespmem:s6], [sflag:$0x1] =	stream.indirect.gather [hbm4b:s5+s6], $0x80, s2, s6, $0xb8;
	[tilespmem:$0x10200] =	vst v63  }
0x19: {  	_ =	swait.ge [sflag:s7], $0x10000  }
.Ltmp1:
0x1a: {  	[sflag:s7] =	ssyncset.done $0x0;
	(pc) =	sbr.rel @p0 .LBB2_1-.Ltmp1, $4  }
0x1b: {  	[sflag:s7] =	ssyncadd.s32 $0xFFFF0000  }
0x1c: {  	[hbm4b:s8+s2] =	stream.linear.scatter [tilespmem:s6], [sflag:$0x2], $0x10000, $0x38;
	[tilespmem:$0x10200] =	vst v63  }
0x1d: {  	_ =	swait.ge [sflag:s3], $0x10000  }
0x1e: {  	[sflag:s3] =	ssyncset.done $0x0  }
.LBB2_2:
0x1f: {  	[sflag:s3] =	ssyncadd.s32 $0xFFFF0000  }
0x20: {  	_ =	sfence.sel $0x180000  }
0x21: {  	[bflag:$0x0] =	sbarrier.arrive $0xFFFF  }
0x22: {  	p0 =	sne.s32 s0, $0x0;
	_ =	strace $0x9000004A  }
0x23: {  	s0 =	sadd.s32 @!p0 $0x100000, s1;
	[bflag:$0x2] =	sbarrier.arrive $0xFFFF  }
0x24: {  	[sflag:s0] =	ssyncadd.tile.s32 @!p0 $0x1;
	_ =	shalt  }
.Lfunc_end2:
_tile_overlayer_lowered:
.L_overlay_start_2:
0x25: {  	(tag) =	ssettag $0x2  }
0x26: {  	s0 =	rddreg [dreg:$0x0];
	s2 =	stileid.u32  }
0x27: {  	s1 =	rddreg [dreg:$0x1];
	p0 =	sne.s32 s2, $0x0  }
0x28: {  	s3 =	rddreg [dreg:$0x2];
	[bflag:$0x3] =	sbarrier.arrive $0xFFFF;
	s2 =	simm.s32 @!p0 $0x1C02  }
0x29: {  	[timem:s3], [sflag:s2] =	dma.local @!p0 [hbm:s0], s1  }
0x2a: {  	s0 =	simm.s32 @!p0 $0x2  }
0x2b: {  	_ =	swait.ge @!p0 [sflag:s0], s1  }
0x2c: {  	s1 =	ssub.s32 @!p0 $0x0, s1;
	[sflag:s0] =	ssyncset.done @!p0 $0x0  }
0x2d: {  	[sflag:s0] =	ssyncadd.s32 @!p0 s1  }
0x2e: {  	[bflag:$0x3] =	sbarrier.arrive $0xFFFF  }
0x2f: {  	_ =	shalt  }

</sc_bundles>
